<compile_context>
chip_gen: v7x
topology: tpu7x:2x2x1
jax: 0.10.2.dev20260603
libtpu: 0.0.44.dev20260713+nightly
codegen_flags: <defaults>
</compile_context>

<pallas_src>
import functools

import jax
import jax.numpy as jnp
from jax import lax
from jax.experimental import pallas as pl
from jax.experimental.pallas import tpu as pltpu
from jax.experimental.pallas import tpu_sc as plsc

IDX_MINOR = 128
CHUNK = 400
D_PAD = 128
_SLICES = [(0, 80), (80, 80), (160, 80), (240, 80), (320, 80)]


def _gather_call(n_idx):
    info = plsc.get_sparse_core_info()
    nc, ns = info.num_cores, info.num_subcores
    nw = nc * ns
    assert n_idx % (nw * 2 * CHUNK) == 0
    per_w = n_idx // nw
    n_pairs = per_w // (2 * CHUNK)

    mesh = plsc.VectorSubcoreMesh(core_axis_name="c", subcore_axis_name="s")

    @functools.partial(
        pl.kernel,
        mesh=mesh,
        out_type=jax.ShapeDtypeStruct((n_idx, D_PAD), jnp.float32),
        scratch_types=[
            pltpu.VMEM((per_w,), jnp.int32),
            pltpu.VMEM((CHUNK, D_PAD), jnp.float32),
            pltpu.VMEM((CHUNK, D_PAD), jnp.float32),
            pltpu.SemaphoreType.DMA,
            pltpu.SemaphoreType.DMA,
            pltpu.SemaphoreType.DMA,
            pltpu.SemaphoreType.DMA,
        ],
    )
    def run(idx_hbm, table_hbm, out_hbm, idx_v, rows_a, rows_b,
            gsem_a, gsem_b, wsem_a, wsem_b):
        wid = lax.axis_index("s") * nc + lax.axis_index("c")
        base = wid * per_w
        pltpu.sync_copy(idx_hbm.at[pl.ds(pl.multiple_of(base, 16), per_w)],
                        idx_v)

        def fire_gather(c, rows_v, gsem):
            coff = pl.multiple_of(c * CHUNK, 16)
            for (o, n) in _SLICES:
                pltpu.async_copy(
                    table_hbm.at[idx_v.at[pl.ds(coff + o, n)]],
                    rows_v.at[pl.ds(o, n)],
                    gsem)

        def wait_gather(c, rows_v, gsem):
            coff = pl.multiple_of(c * CHUNK, 16)
            for (o, n) in _SLICES:
                pltpu.make_async_copy(
                    table_hbm.at[idx_v.at[pl.ds(coff + o, n)]],
                    rows_v.at[pl.ds(o, n)],
                    gsem).wait()

        def fire_write(c, rows_v, wsem):
            off = pl.multiple_of(base + c * CHUNK, 16)
            pltpu.async_copy(rows_v, out_hbm.at[pl.ds(off, CHUNK)], wsem)

        def wait_write(c, rows_v, wsem):
            off = pl.multiple_of(base + c * CHUNK, 16)
            pltpu.make_async_copy(
                rows_v, out_hbm.at[pl.ds(off, CHUNK)], wsem).wait()

        fire_gather(0, rows_a, gsem_a)

        def body(k, carry):
            c0 = 2 * k
            c1 = c0 + 1
            @pl.when(k > 0)
            def _():
                wait_write(c1 - 2, rows_b, wsem_b)
            fire_gather(c1, rows_b, gsem_b)
            wait_gather(c0, rows_a, gsem_a)
            fire_write(c0, rows_a, wsem_a)
            wait_gather(c1, rows_b, gsem_b)

            @pl.when(k < n_pairs - 1)
            def _():
                wait_write(c0, rows_a, wsem_a)
                fire_gather(c0 + 2, rows_a, gsem_a)
            fire_write(c1, rows_b, wsem_b)
            return carry

        lax.fori_loop(0, n_pairs, body, 0)
        wait_write(2 * n_pairs - 2, rows_a, wsem_a)
        wait_write(2 * n_pairs - 1, rows_b, wsem_b)

    return run


def _pad_transpose_call(n_rows, d):
    blk = 16384

    def body(i_ref, o_ref):
        o_ref[:, :d] = i_ref[...].T
        o_ref[:, d:] = jnp.zeros((blk, D_PAD - d), jnp.float32)

    return pl.pallas_call(
        body,
        grid=(pl.cdiv(n_rows, blk),),
        in_specs=[pl.BlockSpec((d, blk), lambda i: (0, i))],
        out_specs=pl.BlockSpec((blk, D_PAD), lambda i: (i, 0)),
        out_shape=jax.ShapeDtypeStruct((n_rows, D_PAD), jnp.float32),
    )


def kernel(word_ids, embed_table):
    b0, b1 = word_ids.shape
    n_rows, d = embed_table.shape
    n_idx = b0 * b1
    idx1d = word_ids.reshape(-1).astype(jnp.int32)
    table_p = _pad_transpose_call(n_rows, d)(embed_table.T)
    out_pad = _gather_call(n_idx)(idx1d, table_p)
    return out_pad[:, :d].reshape(b0, b1, d)

# --- scband reference (transcript-rebuilt; emitter-appended) ---
"""Pipeline reference for scband-word-embedding-49709951484245 (READ-ONLY COPY).

The authoritative reference and input builder live on the scoring server;
editing this copy changes nothing except your own understanding.
"""

import jax, jax.numpy as jnp
import numpy as np

N_WORDS = 100000
EMB_DIM = 100

def setup_inputs(seed: int = 0) -> dict:
    key = jax.random.key(seed)
    k1, k2 = jax.random.split(key)
    word_ids = jax.random.randint(k1, (4096, 200), 0, N_WORDS, dtype=jnp.int64)
    embed_table = jax.random.normal(k2, (N_WORDS, EMB_DIM), dtype=jnp.float32)
    return {"word_ids": word_ids, "embed_table": embed_table}

def reference(word_ids, embed_table):
    # nn.Embedding lookup: gather rows of the table by index
    word_emb = jnp.take(embed_table, word_ids, axis=0)
    return word_emb

if __name__ == "__main__":
    import jax
    _d = setup_inputs()
    print(jax.jit(kernel)(*tuple(_d.values())))

</pallas_src>

<mosaic_0001>
#map = affine_map<(d0, d1) -> (0)>
#map1 = affine_map<(d0, d1) -> (0, 0)>
module attributes {stable_mosaic.version = 14 : i64} {
  func.func @run(%arg0: i32, %arg1: i32, %arg2: memref<819200xi32, #tpu.memory_space<hbm>>, %arg3: memref<100000x128xf32, #tpu.memory_space<hbm>>, %arg4: memref<819200x128xf32, #tpu.memory_space<hbm>>, %arg5: memref<25600xi32, #tpu.memory_space<vmem>>, %arg6: memref<400x128xf32, #tpu.memory_space<vmem>>, %arg7: memref<400x128xf32, #tpu.memory_space<vmem>>, %arg8: memref<!tpu.dma_semaphore, #tpu.memory_space<semaphore_mem>>, %arg9: memref<!tpu.dma_semaphore, #tpu.memory_space<semaphore_mem>>, %arg10: memref<!tpu.dma_semaphore, #tpu.memory_space<semaphore_mem>>, %arg11: memref<!tpu.dma_semaphore, #tpu.memory_space<semaphore_mem>>) attributes {dimension_semantics = [#tpu.dimension_semantics<core_parallel>, #tpu.dimension_semantics<subcore_parallel>], iteration_bounds = array<i64: 2, 16>, scalar_prefetch = 0 : i64, scratch_operands = 7 : i64, tpu.core_type = #tpu.core_type<sc_vector_subcore>, window_params = [{transform_indices = #map}, {transform_indices = #map1}, {transform_indices = #map1}]} {
    %mul3A = arith.constant 2 : i32
    %mul3A_0 = arith.muli %arg1, %mul3A : i32
    %add3A = arith.addi %mul3A_0, %arg0 : i32
    %mul3A_1 = arith.constant 25600 : i32
    %mul3A_2 = arith.muli %add3A, %mul3A_1 : i32
    %multiple_of3A = tpu.assume_multiple %mul3A_2, 16 : i32
    "tpu.region"() ({
      %run_scoped3A = tpu.sem_alloc : memref<!tpu.dma_semaphore, #tpu.memory_space<semaphore_mem>>
      %dma_start3A_67 = tpu.memref_slice %arg2[%multiple_of3A] : memref<819200xi32, #tpu.memory_space<hbm>> -> memref<25600xi32, #tpu.memory_space<hbm>>
      %dma_start3A_68 = tpu.memref_slice %arg2[%multiple_of3A] : memref<819200xi32, #tpu.memory_space<hbm>> -> memref<25600xi32, #tpu.memory_space<hbm>>
      tpu.enqueue_dma source(%dma_start3A_68 : memref<25600xi32, #tpu.memory_space<hbm>>) target(%arg5 : memref<25600xi32, #tpu.memory_space<vmem>>) target_semaphore(%run_scoped3A : memref<!tpu.dma_semaphore, #tpu.memory_space<semaphore_mem>>)
      %dma_wait3A_69 = tpu.memref_slice %arg2[%multiple_of3A] : memref<819200xi32, #tpu.memory_space<hbm>> -> memref<25600xi32, #tpu.memory_space<hbm>>
      %dma_wait3A_70 = tpu.memref_slice %arg2[%multiple_of3A] : memref<819200xi32, #tpu.memory_space<hbm>> -> memref<25600xi32, #tpu.memory_space<hbm>>
      tpu.wait_dma2 semaphore(%run_scoped3A : memref<!tpu.dma_semaphore, #tpu.memory_space<semaphore_mem>>) src(%dma_wait3A_70 : memref<25600xi32, #tpu.memory_space<hbm>>) dst(%arg5 : memref<25600xi32, #tpu.memory_space<vmem>>)
      tpu.yield
    }) : () -> ()
    %multiple_of3A_3 = arith.constant 0 : i32
    %multiple_of3A_4 = tpu.assume_multiple %multiple_of3A_3, 16 : i32
    %add3A_5 = arith.constant 0 : i32
    %add3A_6 = arith.addi %multiple_of3A_4, %add3A_5 : i32
    %dma_start3A = arith.constant 0 : i32
    %dma_start3A_7 = arith.constant 0 : i32
    %dma_start3A_8 = tpu.memref_slice %arg6[%dma_start3A, %dma_start3A_7] : memref<400x128xf32, #tpu.memory_space<vmem>> -> memref<80x128xf32, #tpu.memory_space<vmem>>
    %dma_start3A_9 = tpu.memref_slice %arg5[%add3A_6] : memref<25600xi32, #tpu.memory_space<vmem>> -> memref<80xi32, #tpu.memory_space<vmem>>
    %dma_start3A_10 = arith.constant 0 : i32
    %dma_start3A_11 = arith.constant 0 : i32
    %dma_start3A_12 = tpu.memref_slice %arg3[%dma_start3A_10, %dma_start3A_11] : memref<100000x128xf32, #tpu.memory_space<hbm>> -> memref<100000x128xf32, #tpu.memory_space<hbm>>
    tpu.enqueue_indirect_dma source(%dma_start3A_12 : memref<100000x128xf32, #tpu.memory_space<hbm>>) target(%dma_start3A_8 : memref<80x128xf32, #tpu.memory_space<vmem>>) offsets(%dma_start3A_9 : memref<80xi32, #tpu.memory_space<vmem>>) semaphore(%arg8 : memref<!tpu.dma_semaphore, #tpu.memory_space<semaphore_mem>>)
    %add3A_13 = arith.constant 80 : i32
    %add3A_14 = arith.addi %multiple_of3A_4, %add3A_13 : i32
    %dma_start3A_15 = arith.constant 80 : i32
    %dma_start3A_16 = arith.constant 0 : i32
    %dma_start3A_17 = tpu.memref_slice %arg6[%dma_start3A_15, %dma_start3A_16] : memref<400x128xf32, #tpu.memory_space<vmem>> -> memref<80x128xf32, #tpu.memory_space<vmem>>
    %dma_start3A_18 = tpu.memref_slice %arg5[%add3A_14] : memref<25600xi32, #tpu.memory_space<vmem>> -> memref<80xi32, #tpu.memory_space<vmem>>
    %dma_start3A_19 = arith.constant 0 : i32
    %dma_start3A_20 = arith.constant 0 : i32
    %dma_start3A_21 = tpu.memref_slice %arg3[%dma_start3A_19, %dma_start3A_20] : memref<100000x128xf32, #tpu.memory_space<hbm>> -> memref<100000x128xf32, #tpu.memory_space<hbm>>
    tpu.enqueue_indirect_dma source(%dma_start3A_21 : memref<100000x128xf32, #tpu.memory_space<hbm>>) target(%dma_start3A_17 : memref<80x128xf32, #tpu.memory_space<vmem>>) offsets(%dma_start3A_18 : memref<80xi32, #tpu.memory_space<vmem>>) semaphore(%arg8 : memref<!tpu.dma_semaphore, #tpu.memory_space<semaphore_mem>>)
    %add3A_22 = arith.constant 160 : i32
    %add3A_23 = arith.addi %multiple_of3A_4, %add3A_22 : i32
    %dma_start3A_24 = arith.constant 160 : i32
    %dma_start3A_25 = arith.constant 0 : i32
    %dma_start3A_26 = tpu.memref_slice %arg6[%dma_start3A_24, %dma_start3A_25] : memref<400x128xf32, #tpu.memory_space<vmem>> -> memref<80x128xf32, #tpu.memory_space<vmem>>
    %dma_start3A_27 = tpu.memref_slice %arg5[%add3A_23] : memref<25600xi32, #tpu.memory_space<vmem>> -> memref<80xi32, #tpu.memory_space<vmem>>
    %dma_start3A_28 = arith.constant 0 : i32
    %dma_start3A_29 = arith.constant 0 : i32
    %dma_start3A_30 = tpu.memref_slice %arg3[%dma_start3A_28, %dma_start3A_29] : memref<100000x128xf32, #tpu.memory_space<hbm>> -> memref<100000x128xf32, #tpu.memory_space<hbm>>
    tpu.enqueue_indirect_dma source(%dma_start3A_30 : memref<100000x128xf32, #tpu.memory_space<hbm>>) target(%dma_start3A_26 : memref<80x128xf32, #tpu.memory_space<vmem>>) offsets(%dma_start3A_27 : memref<80xi32, #tpu.memory_space<vmem>>) semaphore(%arg8 : memref<!tpu.dma_semaphore, #tpu.memory_space<semaphore_mem>>)
    %add3A_31 = arith.constant 240 : i32
    %add3A_32 = arith.addi %multiple_of3A_4, %add3A_31 : i32
    %dma_start3A_33 = arith.constant 240 : i32
    %dma_start3A_34 = arith.constant 0 : i32
    %dma_start3A_35 = tpu.memref_slice %arg6[%dma_start3A_33, %dma_start3A_34] : memref<400x128xf32, #tpu.memory_space<vmem>> -> memref<80x128xf32, #tpu.memory_space<vmem>>
    %dma_start3A_36 = tpu.memref_slice %arg5[%add3A_32] : memref<25600xi32, #tpu.memory_space<vmem>> -> memref<80xi32, #tpu.memory_space<vmem>>
    %dma_start3A_37 = arith.constant 0 : i32
    %dma_start3A_38 = arith.constant 0 : i32
    %dma_start3A_39 = tpu.memref_slice %arg3[%dma_start3A_37, %dma_start3A_38] : memref<100000x128xf32, #tpu.memory_space<hbm>> -> memref<100000x128xf32, #tpu.memory_space<hbm>>
    tpu.enqueue_indirect_dma source(%dma_start3A_39 : memref<100000x128xf32, #tpu.memory_space<hbm>>) target(%dma_start3A_35 : memref<80x128xf32, #tpu.memory_space<vmem>>) offsets(%dma_start3A_36 : memref<80xi32, #tpu.memory_space<vmem>>) semaphore(%arg8 : memref<!tpu.dma_semaphore, #tpu.memory_space<semaphore_mem>>)
    %add3A_40 = arith.constant 320 : i32
    %add3A_41 = arith.addi %multiple_of3A_4, %add3A_40 : i32
    %dma_start3A_42 = arith.constant 320 : i32
    %dma_start3A_43 = arith.constant 0 : i32
    %dma_start3A_44 = tpu.memref_slice %arg6[%dma_start3A_42, %dma_start3A_43] : memref<400x128xf32, #tpu.memory_space<vmem>> -> memref<80x128xf32, #tpu.memory_space<vmem>>
    %dma_start3A_45 = tpu.memref_slice %arg5[%add3A_41] : memref<25600xi32, #tpu.memory_space<vmem>> -> memref<80xi32, #tpu.memory_space<vmem>>
    %dma_start3A_46 = arith.constant 0 : i32
    %dma_start3A_47 = arith.constant 0 : i32
    %dma_start3A_48 = tpu.memref_slice %arg3[%dma_start3A_46, %dma_start3A_47] : memref<100000x128xf32, #tpu.memory_space<hbm>> -> memref<100000x128xf32, #tpu.memory_space<hbm>>
    tpu.enqueue_indirect_dma source(%dma_start3A_48 : memref<100000x128xf32, #tpu.memory_space<hbm>>) target(%dma_start3A_44 : memref<80x128xf32, #tpu.memory_space<vmem>>) offsets(%dma_start3A_45 : memref<80xi32, #tpu.memory_space<vmem>>) semaphore(%arg8 : memref<!tpu.dma_semaphore, #tpu.memory_space<semaphore_mem>>)
    %scan3A = arith.constant 0 : i32
    %scan3A_49 = arith.constant 0 : i32
    %scan3A_50 = arith.constant 32 : i32
    %scan3A_51 = arith.addi %scan3A_49, %scan3A_50 : i32
    %scan3A_52 = arith.constant 1 : i32
    scf.for %scan3A_67 = %scan3A_49 to %scan3A_51 step %scan3A_52  : i32 {
      %mul3A_68 = arith.constant 2 : i32
      %mul3A_69 = arith.muli %mul3A_68, %scan3A_67 : i32
      %add3A_70 = arith.constant 1 : i32
      %add3A_71 = arith.addi %mul3A_69, %add3A_70 : i32
      %gt3A = arith.constant 0 : i32
      %gt3A_72 = arith.cmpi sgt, %scan3A_67, %gt3A : i32
      %convert_element_type3A = arith.extui %gt3A_72 : i1 to i32
      %cond3A = arith.constant 0 : i32
      %cond3A_73 = arith.cmpi ne, %convert_element_type3A, %cond3A : i32
      scf.if %cond3A_73 {
        %sub3A = arith.constant 2 : i32
        %sub3A_238 = arith.subi %add3A_71, %sub3A : i32
        %mul3A_239 = arith.constant 400 : i32
        %mul3A_240 = arith.muli %sub3A_238, %mul3A_239 : i32
        %add3A_241 = arith.addi %mul3A_2, %mul3A_240 : i32
        %multiple_of3A_242 = tpu.assume_multiple %add3A_241, 16 : i32
        %dma_wait3A_243 = arith.constant 0 : i32
        %dma_wait3A_244 = tpu.memref_slice %arg4[%multiple_of3A_242, %dma_wait3A_243] : memref<819200x128xf32, #tpu.memory_space<hbm>> -> memref<400x128xf32, #tpu.memory_space<hbm>>
        %dma_wait3A_245 = arith.constant 0 : i32
        %dma_wait3A_246 = tpu.memref_slice %arg4[%multiple_of3A_242, %dma_wait3A_245] : memref<819200x128xf32, #tpu.memory_space<hbm>> -> memref<400x128xf32, #tpu.memory_space<hbm>>
        tpu.wait_dma2 semaphore(%arg11 : memref<!tpu.dma_semaphore, #tpu.memory_space<semaphore_mem>>) src(%arg7 : memref<400x128xf32, #tpu.memory_space<vmem>>) dst(%dma_wait3A_246 : memref<400x128xf32, #tpu.memory_space<hbm>>)
      } else {
      }
      %mul3A_74 = arith.constant 400 : i32
      %mul3A_75 = arith.muli %add3A_71, %mul3A_74 : i32
      %multiple_of3A_76 = tpu.assume_multiple %mul3A_75, 16 : i32
      %add3A_77 = arith.constant 0 : i32
      %add3A_78 = arith.addi %multiple_of3A_76, %add3A_77 : i32
      %dma_start3A_79 = arith.constant 0 : i32
      %dma_start3A_80 = arith.constant 0 : i32
      %dma_start3A_81 = tpu.memref_slice %arg7[%dma_start3A_79, %dma_start3A_80] : memref<400x128xf32, #tpu.memory_space<vmem>> -> memref<80x128xf32, #tpu.memory_space<vmem>>
      %dma_start3A_82 = tpu.memref_slice %arg5[%add3A_78] : memref<25600xi32, #tpu.memory_space<vmem>> -> memref<80xi32, #tpu.memory_space<vmem>>
      %dma_start3A_83 = arith.constant 0 : i32
      %dma_start3A_84 = arith.constant 0 : i32
      %dma_start3A_85 = tpu.memref_slice %arg3[%dma_start3A_83, %dma_start3A_84] : memref<100000x128xf32, #tpu.memory_space<hbm>> -> memref<100000x128xf32, #tpu.memory_space<hbm>>
      tpu.enqueue_indirect_dma source(%dma_start3A_85 : memref<100000x128xf32, #tpu.memory_space<hbm>>) target(%dma_start3A_81 : memref<80x128xf32, #tpu.memory_space<vmem>>) offsets(%dma_start3A_82 : memref<80xi32, #tpu.memory_space<vmem>>) semaphore(%arg9 : memref<!tpu.dma_semaphore, #tpu.memory_space<semaphore_mem>>)
      %add3A_86 = arith.constant 80 : i32
      %add3A_87 = arith.addi %multiple_of3A_76, %add3A_86 : i32
      %dma_start3A_88 = arith.constant 80 : i32
      %dma_start3A_89 = arith.constant 0 : i32
      %dma_start3A_90 = tpu.memref_slice %arg7[%dma_start3A_88, %dma_start3A_89] : memref<400x128xf32, #tpu.memory_space<vmem>> -> memref<80x128xf32, #tpu.memory_space<vmem>>
      %dma_start3A_91 = tpu.memref_slice %arg5[%add3A_87] : memref<25600xi32, #tpu.memory_space<vmem>> -> memref<80xi32, #tpu.memory_space<vmem>>
      %dma_start3A_92 = arith.constant 0 : i32
      %dma_start3A_93 = arith.constant 0 : i32
      %dma_start3A_94 = tpu.memref_slice %arg3[%dma_start3A_92, %dma_start3A_93] : memref<100000x128xf32, #tpu.memory_space<hbm>> -> memref<100000x128xf32, #tpu.memory_space<hbm>>
      tpu.enqueue_indirect_dma source(%dma_start3A_94 : memref<100000x128xf32, #tpu.memory_space<hbm>>) target(%dma_start3A_90 : memref<80x128xf32, #tpu.memory_space<vmem>>) offsets(%dma_start3A_91 : memref<80xi32, #tpu.memory_space<vmem>>) semaphore(%arg9 : memref<!tpu.dma_semaphore, #tpu.memory_space<semaphore_mem>>)
      %add3A_95 = arith.constant 160 : i32
      %add3A_96 = arith.addi %multiple_of3A_76, %add3A_95 : i32
      %dma_start3A_97 = arith.constant 160 : i32
      %dma_start3A_98 = arith.constant 0 : i32
      %dma_start3A_99 = tpu.memref_slice %arg7[%dma_start3A_97, %dma_start3A_98] : memref<400x128xf32, #tpu.memory_space<vmem>> -> memref<80x128xf32, #tpu.memory_space<vmem>>
      %dma_start3A_100 = tpu.memref_slice %arg5[%add3A_96] : memref<25600xi32, #tpu.memory_space<vmem>> -> memref<80xi32, #tpu.memory_space<vmem>>
      %dma_start3A_101 = arith.constant 0 : i32
      %dma_start3A_102 = arith.constant 0 : i32
      %dma_start3A_103 = tpu.memref_slice %arg3[%dma_start3A_101, %dma_start3A_102] : memref<100000x128xf32, #tpu.memory_space<hbm>> -> memref<100000x128xf32, #tpu.memory_space<hbm>>
      tpu.enqueue_indirect_dma source(%dma_start3A_103 : memref<100000x128xf32, #tpu.memory_space<hbm>>) target(%dma_start3A_99 : memref<80x128xf32, #tpu.memory_space<vmem>>) offsets(%dma_start3A_100 : memref<80xi32, #tpu.memory_space<vmem>>) semaphore(%arg9 : memref<!tpu.dma_semaphore, #tpu.memory_space<semaphore_mem>>)
      %add3A_104 = arith.constant 240 : i32
      %add3A_105 = arith.addi %multiple_of3A_76, %add3A_104 : i32
      %dma_start3A_106 = arith.constant 240 : i32
      %dma_start3A_107 = arith.constant 0 : i32
      %dma_start3A_108 = tpu.memref_slice %arg7[%dma_start3A_106, %dma_start3A_107] : memref<400x128xf32, #tpu.memory_space<vmem>> -> memref<80x128xf32, #tpu.memory_space<vmem>>
      %dma_start3A_109 = tpu.memref_slice %arg5[%add3A_105] : memref<25600xi32, #tpu.memory_space<vmem>> -> memref<80xi32, #tpu.memory_space<vmem>>
      %dma_start3A_110 = arith.constant 0 : i32
      %dma_start3A_111 = arith.constant 0 : i32
      %dma_start3A_112 = tpu.memref_slice %arg3[%dma_start3A_110, %dma_start3A_111] : memref<100000x128xf32, #tpu.memory_space<hbm>> -> memref<100000x128xf32, #tpu.memory_space<hbm>>
      tpu.enqueue_indirect_dma source(%dma_start3A_112 : memref<100000x128xf32, #tpu.memory_space<hbm>>) target(%dma_start3A_108 : memref<80x128xf32, #tpu.memory_space<vmem>>) offsets(%dma_start3A_109 : memref<80xi32, #tpu.memory_space<vmem>>) semaphore(%arg9 : memref<!tpu.dma_semaphore, #tpu.memory_space<semaphore_mem>>)
      %add3A_113 = arith.constant 320 : i32
      %add3A_114 = arith.addi %multiple_of3A_76, %add3A_113 : i32
      %dma_start3A_115 = arith.constant 320 : i32
      %dma_start3A_116 = arith.constant 0 : i32
      %dma_start3A_117 = tpu.memref_slice %arg7[%dma_start3A_115, %dma_start3A_116] : memref<400x128xf32, #tpu.memory_space<vmem>> -> memref<80x128xf32, #tpu.memory_space<vmem>>
      %dma_start3A_118 = tpu.memref_slice %arg5[%add3A_114] : memref<25600xi32, #tpu.memory_space<vmem>> -> memref<80xi32, #tpu.memory_space<vmem>>
      %dma_start3A_119 = arith.constant 0 : i32
      %dma_start3A_120 = arith.constant 0 : i32
      %dma_start3A_121 = tpu.memref_slice %arg3[%dma_start3A_119, %dma_start3A_120] : memref<100000x128xf32, #tpu.memory_space<hbm>> -> memref<100000x128xf32, #tpu.memory_space<hbm>>
      tpu.enqueue_indirect_dma source(%dma_start3A_121 : memref<100000x128xf32, #tpu.memory_space<hbm>>) target(%dma_start3A_117 : memref<80x128xf32, #tpu.memory_space<vmem>>) offsets(%dma_start3A_118 : memref<80xi32, #tpu.memory_space<vmem>>) semaphore(%arg9 : memref<!tpu.dma_semaphore, #tpu.memory_space<semaphore_mem>>)
      %mul3A_122 = arith.constant 400 : i32
      %mul3A_123 = arith.muli %mul3A_69, %mul3A_122 : i32
      %multiple_of3A_124 = tpu.assume_multiple %mul3A_123, 16 : i32
      %add3A_125 = arith.constant 0 : i32
      %add3A_126 = arith.addi %multiple_of3A_124, %add3A_125 : i32
      %dma_wait3A_127 = arith.constant 0 : i32
      %dma_wait3A_128 = arith.constant 0 : i32
      %dma_wait3A_129 = tpu.memref_slice %arg6[%dma_wait3A_127, %dma_wait3A_128] : memref<400x128xf32, #tpu.memory_space<vmem>> -> memref<80x128xf32, #tpu.memory_space<vmem>>
      %dma_wait3A_130 = tpu.memref_slice %arg5[%add3A_126] : memref<25600xi32, #tpu.memory_space<vmem>> -> memref<80xi32, #tpu.memory_space<vmem>>
      %dma_wait3A_131 = arith.constant 0 : i32
      %dma_wait3A_132 = arith.constant 0 : i32
      %dma_wait3A_133 = tpu.memref_slice %arg3[%dma_wait3A_131, %dma_wait3A_132] : memref<100000x128xf32, #tpu.memory_space<hbm>> -> memref<100000x128xf32, #tpu.memory_space<hbm>>
      tpu.wait_indirect_dma semaphore(%arg8 : memref<!tpu.dma_semaphore, #tpu.memory_space<semaphore_mem>>) src(%dma_wait3A_133 : memref<100000x128xf32, #tpu.memory_space<hbm>>) dst(%dma_wait3A_129 : memref<80x128xf32, #tpu.memory_space<vmem>>)
      %add3A_134 = arith.constant 80 : i32
      %add3A_135 = arith.addi %multiple_of3A_124, %add3A_134 : i32
      %dma_wait3A_136 = arith.constant 80 : i32
      %dma_wait3A_137 = arith.constant 0 : i32
      %dma_wait3A_138 = tpu.memref_slice %arg6[%dma_wait3A_136, %dma_wait3A_137] : memref<400x128xf32, #tpu.memory_space<vmem>> -> memref<80x128xf32, #tpu.memory_space<vmem>>
      %dma_wait3A_139 = tpu.memref_slice %arg5[%add3A_135] : memref<25600xi32, #tpu.memory_space<vmem>> -> memref<80xi32, #tpu.memory_space<vmem>>
      %dma_wait3A_140 = arith.constant 0 : i32
      %dma_wait3A_141 = arith.constant 0 : i32
      %dma_wait3A_142 = tpu.memref_slice %arg3[%dma_wait3A_140, %dma_wait3A_141] : memref<100000x128xf32, #tpu.memory_space<hbm>> -> memref<100000x128xf32, #tpu.memory_space<hbm>>
      tpu.wait_indirect_dma semaphore(%arg8 : memref<!tpu.dma_semaphore, #tpu.memory_space<semaphore_mem>>) src(%dma_wait3A_142 : memref<100000x128xf32, #tpu.memory_space<hbm>>) dst(%dma_wait3A_138 : memref<80x128xf32, #tpu.memory_space<vmem>>)
      %add3A_143 = arith.constant 160 : i32
      %add3A_144 = arith.addi %multiple_of3A_124, %add3A_143 : i32
      %dma_wait3A_145 = arith.constant 160 : i32
      %dma_wait3A_146 = arith.constant 0 : i32
      %dma_wait3A_147 = tpu.memref_slice %arg6[%dma_wait3A_145, %dma_wait3A_146] : memref<400x128xf32, #tpu.memory_space<vmem>> -> memref<80x128xf32, #tpu.memory_space<vmem>>
      %dma_wait3A_148 = tpu.memref_slice %arg5[%add3A_144] : memref<25600xi32, #tpu.memory_space<vmem>> -> memref<80xi32, #tpu.memory_space<vmem>>
      %dma_wait3A_149 = arith.constant 0 : i32
      %dma_wait3A_150 = arith.constant 0 : i32
      %dma_wait3A_151 = tpu.memref_slice %arg3[%dma_wait3A_149, %dma_wait3A_150] : memref<100000x128xf32, #tpu.memory_space<hbm>> -> memref<100000x128xf32, #tpu.memory_space<hbm>>
      tpu.wait_indirect_dma semaphore(%arg8 : memref<!tpu.dma_semaphore, #tpu.memory_space<semaphore_mem>>) src(%dma_wait3A_151 : memref<100000x128xf32, #tpu.memory_space<hbm>>) dst(%dma_wait3A_147 : memref<80x128xf32, #tpu.memory_space<vmem>>)
      %add3A_152 = arith.constant 240 : i32
      %add3A_153 = arith.addi %multiple_of3A_124, %add3A_152 : i32
      %dma_wait3A_154 = arith.constant 240 : i32
      %dma_wait3A_155 = arith.constant 0 : i32
      %dma_wait3A_156 = tpu.memref_slice %arg6[%dma_wait3A_154, %dma_wait3A_155] : memref<400x128xf32, #tpu.memory_space<vmem>> -> memref<80x128xf32, #tpu.memory_space<vmem>>
      %dma_wait3A_157 = tpu.memref_slice %arg5[%add3A_153] : memref<25600xi32, #tpu.memory_space<vmem>> -> memref<80xi32, #tpu.memory_space<vmem>>
      %dma_wait3A_158 = arith.constant 0 : i32
      %dma_wait3A_159 = arith.constant 0 : i32
      %dma_wait3A_160 = tpu.memref_slice %arg3[%dma_wait3A_158, %dma_wait3A_159] : memref<100000x128xf32, #tpu.memory_space<hbm>> -> memref<100000x128xf32, #tpu.memory_space<hbm>>
      tpu.wait_indirect_dma semaphore(%arg8 : memref<!tpu.dma_semaphore, #tpu.memory_space<semaphore_mem>>) src(%dma_wait3A_160 : memref<100000x128xf32, #tpu.memory_space<hbm>>) dst(%dma_wait3A_156 : memref<80x128xf32, #tpu.memory_space<vmem>>)
      %add3A_161 = arith.constant 320 : i32
      %add3A_162 = arith.addi %multiple_of3A_124, %add3A_161 : i32
      %dma_wait3A_163 = arith.constant 320 : i32
      %dma_wait3A_164 = arith.constant 0 : i32
      %dma_wait3A_165 = tpu.memref_slice %arg6[%dma_wait3A_163, %dma_wait3A_164] : memref<400x128xf32, #tpu.memory_space<vmem>> -> memref<80x128xf32, #tpu.memory_space<vmem>>
      %dma_wait3A_166 = tpu.memref_slice %arg5[%add3A_162] : memref<25600xi32, #tpu.memory_space<vmem>> -> memref<80xi32, #tpu.memory_space<vmem>>
      %dma_wait3A_167 = arith.constant 0 : i32
      %dma_wait3A_168 = arith.constant 0 : i32
      %dma_wait3A_169 = tpu.memref_slice %arg3[%dma_wait3A_167, %dma_wait3A_168] : memref<100000x128xf32, #tpu.memory_space<hbm>> -> memref<100000x128xf32, #tpu.memory_space<hbm>>
      tpu.wait_indirect_dma semaphore(%arg8 : memref<!tpu.dma_semaphore, #tpu.memory_space<semaphore_mem>>) src(%dma_wait3A_169 : memref<100000x128xf32, #tpu.memory_space<hbm>>) dst(%dma_wait3A_165 : memref<80x128xf32, #tpu.memory_space<vmem>>)
      %mul3A_170 = arith.constant 400 : i32
      %mul3A_171 = arith.muli %mul3A_69, %mul3A_170 : i32
      %add3A_172 = arith.addi %mul3A_2, %mul3A_171 : i32
      %multiple_of3A_173 = tpu.assume_multiple %add3A_172, 16 : i32
      %dma_start3A_174 = arith.constant 0 : i32
      %dma_start3A_175 = tpu.memref_slice %arg4[%multiple_of3A_173, %dma_start3A_174] : memref<819200x128xf32, #tpu.memory_space<hbm>> -> memref<400x128xf32, #tpu.memory_space<hbm>>
      %dma_start3A_176 = arith.constant 0 : i32
      %dma_start3A_177 = tpu.memref_slice %arg4[%multiple_of3A_173, %dma_start3A_176] : memref<819200x128xf32, #tpu.memory_space<hbm>> -> memref<400x128xf32, #tpu.memory_space<hbm>>
      tpu.enqueue_dma source(%arg6 : memref<400x128xf32, #tpu.memory_space<vmem>>) target(%dma_start3A_177 : memref<400x128xf32, #tpu.memory_space<hbm>>) target_semaphore(%arg10 : memref<!tpu.dma_semaphore, #tpu.memory_space<semaphore_mem>>)
      %mul3A_178 = arith.constant 400 : i32
      %mul3A_179 = arith.muli %add3A_71, %mul3A_178 : i32
      %multiple_of3A_180 = tpu.assume_multiple %mul3A_179, 16 : i32
      %add3A_181 = arith.constant 0 : i32
      %add3A_182 = arith.addi %multiple_of3A_180, %add3A_181 : i32
      %dma_wait3A_183 = arith.constant 0 : i32
      %dma_wait3A_184 = arith.constant 0 : i32
      %dma_wait3A_185 = tpu.memref_slice %arg7[%dma_wait3A_183, %dma_wait3A_184] : memref<400x128xf32, #tpu.memory_space<vmem>> -> memref<80x128xf32, #tpu.memory_space<vmem>>
      %dma_wait3A_186 = tpu.memref_slice %arg5[%add3A_182] : memref<25600xi32, #tpu.memory_space<vmem>> -> memref<80xi32, #tpu.memory_space<vmem>>
      %dma_wait3A_187 = arith.constant 0 : i32
      %dma_wait3A_188 = arith.constant 0 : i32
      %dma_wait3A_189 = tpu.memref_slice %arg3[%dma_wait3A_187, %dma_wait3A_188] : memref<100000x128xf32, #tpu.memory_space<hbm>> -> memref<100000x128xf32, #tpu.memory_space<hbm>>
      tpu.wait_indirect_dma semaphore(%arg9 : memref<!tpu.dma_semaphore, #tpu.memory_space<semaphore_mem>>) src(%dma_wait3A_189 : memref<100000x128xf32, #tpu.memory_space<hbm>>) dst(%dma_wait3A_185 : memref<80x128xf32, #tpu.memory_space<vmem>>)
      %add3A_190 = arith.constant 80 : i32
      %add3A_191 = arith.addi %multiple_of3A_180, %add3A_190 : i32
      %dma_wait3A_192 = arith.constant 80 : i32
      %dma_wait3A_193 = arith.constant 0 : i32
      %dma_wait3A_194 = tpu.memref_slice %arg7[%dma_wait3A_192, %dma_wait3A_193] : memref<400x128xf32, #tpu.memory_space<vmem>> -> memref<80x128xf32, #tpu.memory_space<vmem>>
      %dma_wait3A_195 = tpu.memref_slice %arg5[%add3A_191] : memref<25600xi32, #tpu.memory_space<vmem>> -> memref<80xi32, #tpu.memory_space<vmem>>
      %dma_wait3A_196 = arith.constant 0 : i32
      %dma_wait3A_197 = arith.constant 0 : i32
      %dma_wait3A_198 = tpu.memref_slice %arg3[%dma_wait3A_196, %dma_wait3A_197] : memref<100000x128xf32, #tpu.memory_space<hbm>> -> memref<100000x128xf32, #tpu.memory_space<hbm>>
      tpu.wait_indirect_dma semaphore(%arg9 : memref<!tpu.dma_semaphore, #tpu.memory_space<semaphore_mem>>) src(%dma_wait3A_198 : memref<100000x128xf32, #tpu.memory_space<hbm>>) dst(%dma_wait3A_194 : memref<80x128xf32, #tpu.memory_space<vmem>>)
      %add3A_199 = arith.constant 160 : i32
      %add3A_200 = arith.addi %multiple_of3A_180, %add3A_199 : i32
      %dma_wait3A_201 = arith.constant 160 : i32
      %dma_wait3A_202 = arith.constant 0 : i32
      %dma_wait3A_203 = tpu.memref_slice %arg7[%dma_wait3A_201, %dma_wait3A_202] : memref<400x128xf32, #tpu.memory_space<vmem>> -> memref<80x128xf32, #tpu.memory_space<vmem>>
      %dma_wait3A_204 = tpu.memref_slice %arg5[%add3A_200] : memref<25600xi32, #tpu.memory_space<vmem>> -> memref<80xi32, #tpu.memory_space<vmem>>
      %dma_wait3A_205 = arith.constant 0 : i32
      %dma_wait3A_206 = arith.constant 0 : i32
      %dma_wait3A_207 = tpu.memref_slice %arg3[%dma_wait3A_205, %dma_wait3A_206] : memref<100000x128xf32, #tpu.memory_space<hbm>> -> memref<100000x128xf32, #tpu.memory_space<hbm>>
      tpu.wait_indirect_dma semaphore(%arg9 : memref<!tpu.dma_semaphore, #tpu.memory_space<semaphore_mem>>) src(%dma_wait3A_207 : memref<100000x128xf32, #tpu.memory_space<hbm>>) dst(%dma_wait3A_203 : memref<80x128xf32, #tpu.memory_space<vmem>>)
      %add3A_208 = arith.constant 240 : i32
      %add3A_209 = arith.addi %multiple_of3A_180, %add3A_208 : i32
      %dma_wait3A_210 = arith.constant 240 : i32
      %dma_wait3A_211 = arith.constant 0 : i32
      %dma_wait3A_212 = tpu.memref_slice %arg7[%dma_wait3A_210, %dma_wait3A_211] : memref<400x128xf32, #tpu.memory_space<vmem>> -> memref<80x128xf32, #tpu.memory_space<vmem>>
      %dma_wait3A_213 = tpu.memref_slice %arg5[%add3A_209] : memref<25600xi32, #tpu.memory_space<vmem>> -> memref<80xi32, #tpu.memory_space<vmem>>
      %dma_wait3A_214 = arith.constant 0 : i32
      %dma_wait3A_215 = arith.constant 0 : i32
      %dma_wait3A_216 = tpu.memref_slice %arg3[%dma_wait3A_214, %dma_wait3A_215] : memref<100000x128xf32, #tpu.memory_space<hbm>> -> memref<100000x128xf32, #tpu.memory_space<hbm>>
      tpu.wait_indirect_dma semaphore(%arg9 : memref<!tpu.dma_semaphore, #tpu.memory_space<semaphore_mem>>) src(%dma_wait3A_216 : memref<100000x128xf32, #tpu.memory_space<hbm>>) dst(%dma_wait3A_212 : memref<80x128xf32, #tpu.memory_space<vmem>>)
      %add3A_217 = arith.constant 320 : i32
      %add3A_218 = arith.addi %multiple_of3A_180, %add3A_217 : i32
      %dma_wait3A_219 = arith.constant 320 : i32
      %dma_wait3A_220 = arith.constant 0 : i32
      %dma_wait3A_221 = tpu.memref_slice %arg7[%dma_wait3A_219, %dma_wait3A_220] : memref<400x128xf32, #tpu.memory_space<vmem>> -> memref<80x128xf32, #tpu.memory_space<vmem>>
      %dma_wait3A_222 = tpu.memref_slice %arg5[%add3A_218] : memref<25600xi32, #tpu.memory_space<vmem>> -> memref<80xi32, #tpu.memory_space<vmem>>
      %dma_wait3A_223 = arith.constant 0 : i32
      %dma_wait3A_224 = arith.constant 0 : i32
      %dma_wait3A_225 = tpu.memref_slice %arg3[%dma_wait3A_223, %dma_wait3A_224] : memref<100000x128xf32, #tpu.memory_space<hbm>> -> memref<100000x128xf32, #tpu.memory_space<hbm>>
      tpu.wait_indirect_dma semaphore(%arg9 : memref<!tpu.dma_semaphore, #tpu.memory_space<semaphore_mem>>) src(%dma_wait3A_225 : memref<100000x128xf32, #tpu.memory_space<hbm>>) dst(%dma_wait3A_221 : memref<80x128xf32, #tpu.memory_space<vmem>>)
      %lt3A = arith.constant 31 : i32
      %lt3A_226 = arith.cmpi slt, %scan3A_67, %lt3A : i32
      %convert_element_type3A_227 = arith.extui %lt3A_226 : i1 to i32
      %cond3A_228 = arith.constant 0 : i32
      %cond3A_229 = arith.cmpi ne, %convert_element_type3A_227, %cond3A_228 : i32
      scf.if %cond3A_229 {
        %mul3A_238 = arith.constant 400 : i32
        %mul3A_239 = arith.muli %mul3A_69, %mul3A_238 : i32
        %add3A_240 = arith.addi %mul3A_2, %mul3A_239 : i32
        %multiple_of3A_241 = tpu.assume_multiple %add3A_240, 16 : i32
        %dma_wait3A_242 = arith.constant 0 : i32
        %dma_wait3A_243 = tpu.memref_slice %arg4[%multiple_of3A_241, %dma_wait3A_242] : memref<819200x128xf32, #tpu.memory_space<hbm>> -> memref<400x128xf32, #tpu.memory_space<hbm>>
        %dma_wait3A_244 = arith.constant 0 : i32
        %dma_wait3A_245 = tpu.memref_slice %arg4[%multiple_of3A_241, %dma_wait3A_244] : memref<819200x128xf32, #tpu.memory_space<hbm>> -> memref<400x128xf32, #tpu.memory_space<hbm>>
        tpu.wait_dma2 semaphore(%arg10 : memref<!tpu.dma_semaphore, #tpu.memory_space<semaphore_mem>>) src(%arg6 : memref<400x128xf32, #tpu.memory_space<vmem>>) dst(%dma_wait3A_245 : memref<400x128xf32, #tpu.memory_space<hbm>>)
        %add3A_246 = arith.constant 2 : i32
        %add3A_247 = arith.addi %mul3A_69, %add3A_246 : i32
        %mul3A_248 = arith.constant 400 : i32
        %mul3A_249 = arith.muli %add3A_247, %mul3A_248 : i32
        %multiple_of3A_250 = tpu.assume_multiple %mul3A_249, 16 : i32
        %add3A_251 = arith.constant 0 : i32
        %add3A_252 = arith.addi %multiple_of3A_250, %add3A_251 : i32
        %dma_start3A_253 = arith.constant 0 : i32
        %dma_start3A_254 = arith.constant 0 : i32
        %dma_start3A_255 = tpu.memref_slice %arg6[%dma_start3A_253, %dma_start3A_254] : memref<400x128xf32, #tpu.memory_space<vmem>> -> memref<80x128xf32, #tpu.memory_space<vmem>>
        %dma_start3A_256 = tpu.memref_slice %arg5[%add3A_252] : memref<25600xi32, #tpu.memory_space<vmem>> -> memref<80xi32, #tpu.memory_space<vmem>>
        %dma_start3A_257 = arith.constant 0 : i32
        %dma_start3A_258 = arith.constant 0 : i32
        %dma_start3A_259 = tpu.memref_slice %arg3[%dma_start3A_257, %dma_start3A_258] : memref<100000x128xf32, #tpu.memory_space<hbm>> -> memref<100000x128xf32, #tpu.memory_space<hbm>>
        tpu.enqueue_indirect_dma source(%dma_start3A_259 : memref<100000x128xf32, #tpu.memory_space<hbm>>) target(%dma_start3A_255 : memref<80x128xf32, #tpu.memory_space<vmem>>) offsets(%dma_start3A_256 : memref<80xi32, #tpu.memory_space<vmem>>) semaphore(%arg8 : memref<!tpu.dma_semaphore, #tpu.memory_space<semaphore_mem>>)
        %add3A_260 = arith.constant 80 : i32
        %add3A_261 = arith.addi %multiple_of3A_250, %add3A_260 : i32
        %dma_start3A_262 = arith.constant 80 : i32
        %dma_start3A_263 = arith.constant 0 : i32
        %dma_start3A_264 = tpu.memref_slice %arg6[%dma_start3A_262, %dma_start3A_263] : memref<400x128xf32, #tpu.memory_space<vmem>> -> memref<80x128xf32, #tpu.memory_space<vmem>>
        %dma_start3A_265 = tpu.memref_slice %arg5[%add3A_261] : memref<25600xi32, #tpu.memory_space<vmem>> -> memref<80xi32, #tpu.memory_space<vmem>>
        %dma_start3A_266 = arith.constant 0 : i32
        %dma_start3A_267 = arith.constant 0 : i32
        %dma_start3A_268 = tpu.memref_slice %arg3[%dma_start3A_266, %dma_start3A_267] : memref<100000x128xf32, #tpu.memory_space<hbm>> -> memref<100000x128xf32, #tpu.memory_space<hbm>>
        tpu.enqueue_indirect_dma source(%dma_start3A_268 : memref<100000x128xf32, #tpu.memory_space<hbm>>) target(%dma_start3A_264 : memref<80x128xf32, #tpu.memory_space<vmem>>) offsets(%dma_start3A_265 : memref<80xi32, #tpu.memory_space<vmem>>) semaphore(%arg8 : memref<!tpu.dma_semaphore, #tpu.memory_space<semaphore_mem>>)
        %add3A_269 = arith.constant 160 : i32
        %add3A_270 = arith.addi %multiple_of3A_250, %add3A_269 : i32
        %dma_start3A_271 = arith.constant 160 : i32
        %dma_start3A_272 = arith.constant 0 : i32
        %dma_start3A_273 = tpu.memref_slice %arg6[%dma_start3A_271, %dma_start3A_272] : memref<400x128xf32, #tpu.memory_space<vmem>> -> memref<80x128xf32, #tpu.memory_space<vmem>>
        %dma_start3A_274 = tpu.memref_slice %arg5[%add3A_270] : memref<25600xi32, #tpu.memory_space<vmem>> -> memref<80xi32, #tpu.memory_space<vmem>>
        %dma_start3A_275 = arith.constant 0 : i32
        %dma_start3A_276 = arith.constant 0 : i32
        %dma_start3A_277 = tpu.memref_slice %arg3[%dma_start3A_275, %dma_start3A_276] : memref<100000x128xf32, #tpu.memory_space<hbm>> -> memref<100000x128xf32, #tpu.memory_space<hbm>>
        tpu.enqueue_indirect_dma source(%dma_start3A_277 : memref<100000x128xf32, #tpu.memory_space<hbm>>) target(%dma_start3A_273 : memref<80x128xf32, #tpu.memory_space<vmem>>) offsets(%dma_start3A_274 : memref<80xi32, #tpu.memory_space<vmem>>) semaphore(%arg8 : memref<!tpu.dma_semaphore, #tpu.memory_space<semaphore_mem>>)
        %add3A_278 = arith.constant 240 : i32
        %add3A_279 = arith.addi %multiple_of3A_250, %add3A_278 : i32
        %dma_start3A_280 = arith.constant 240 : i32
        %dma_start3A_281 = arith.constant 0 : i32
        %dma_start3A_282 = tpu.memref_slice %arg6[%dma_start3A_280, %dma_start3A_281] : memref<400x128xf32, #tpu.memory_space<vmem>> -> memref<80x128xf32, #tpu.memory_space<vmem>>
        %dma_start3A_283 = tpu.memref_slice %arg5[%add3A_279] : memref<25600xi32, #tpu.memory_space<vmem>> -> memref<80xi32, #tpu.memory_space<vmem>>
        %dma_start3A_284 = arith.constant 0 : i32
        %dma_start3A_285 = arith.constant 0 : i32
        %dma_start3A_286 = tpu.memref_slice %arg3[%dma_start3A_284, %dma_start3A_285] : memref<100000x128xf32, #tpu.memory_space<hbm>> -> memref<100000x128xf32, #tpu.memory_space<hbm>>
        tpu.enqueue_indirect_dma source(%dma_start3A_286 : memref<100000x128xf32, #tpu.memory_space<hbm>>) target(%dma_start3A_282 : memref<80x128xf32, #tpu.memory_space<vmem>>) offsets(%dma_start3A_283 : memref<80xi32, #tpu.memory_space<vmem>>) semaphore(%arg8 : memref<!tpu.dma_semaphore, #tpu.memory_space<semaphore_mem>>)
        %add3A_287 = arith.constant 320 : i32
        %add3A_288 = arith.addi %multiple_of3A_250, %add3A_287 : i32
        %dma_start3A_289 = arith.constant 320 : i32
        %dma_start3A_290 = arith.constant 0 : i32
        %dma_start3A_291 = tpu.memref_slice %arg6[%dma_start3A_289, %dma_start3A_290] : memref<400x128xf32, #tpu.memory_space<vmem>> -> memref<80x128xf32, #tpu.memory_space<vmem>>
        %dma_start3A_292 = tpu.memref_slice %arg5[%add3A_288] : memref<25600xi32, #tpu.memory_space<vmem>> -> memref<80xi32, #tpu.memory_space<vmem>>
        %dma_start3A_293 = arith.constant 0 : i32
        %dma_start3A_294 = arith.constant 0 : i32
        %dma_start3A_295 = tpu.memref_slice %arg3[%dma_start3A_293, %dma_start3A_294] : memref<100000x128xf32, #tpu.memory_space<hbm>> -> memref<100000x128xf32, #tpu.memory_space<hbm>>
        tpu.enqueue_indirect_dma source(%dma_start3A_295 : memref<100000x128xf32, #tpu.memory_space<hbm>>) target(%dma_start3A_291 : memref<80x128xf32, #tpu.memory_space<vmem>>) offsets(%dma_start3A_292 : memref<80xi32, #tpu.memory_space<vmem>>) semaphore(%arg8 : memref<!tpu.dma_semaphore, #tpu.memory_space<semaphore_mem>>)
      } else {
      }
      %mul3A_230 = arith.constant 400 : i32
      %mul3A_231 = arith.muli %add3A_71, %mul3A_230 : i32
      %add3A_232 = arith.addi %mul3A_2, %mul3A_231 : i32
      %multiple_of3A_233 = tpu.assume_multiple %add3A_232, 16 : i32
      %dma_start3A_234 = arith.constant 0 : i32
      %dma_start3A_235 = tpu.memref_slice %arg4[%multiple_of3A_233, %dma_start3A_234] : memref<819200x128xf32, #tpu.memory_space<hbm>> -> memref<400x128xf32, #tpu.memory_space<hbm>>
      %dma_start3A_236 = arith.constant 0 : i32
      %dma_start3A_237 = tpu.memref_slice %arg4[%multiple_of3A_233, %dma_start3A_236] : memref<819200x128xf32, #tpu.memory_space<hbm>> -> memref<400x128xf32, #tpu.memory_space<hbm>>
      tpu.enqueue_dma source(%arg7 : memref<400x128xf32, #tpu.memory_space<vmem>>) target(%dma_start3A_237 : memref<400x128xf32, #tpu.memory_space<hbm>>) target_semaphore(%arg11 : memref<!tpu.dma_semaphore, #tpu.memory_space<semaphore_mem>>)
    }
    %scan3A_53 = arith.constant 32 : i32
    %add3A_54 = arith.constant 24800 : i32
    %add3A_55 = arith.addi %mul3A_2, %add3A_54 : i32
    %multiple_of3A_56 = tpu.assume_multiple %add3A_55, 16 : i32
    %dma_wait3A = arith.constant 0 : i32
    %dma_wait3A_57 = tpu.memref_slice %arg4[%multiple_of3A_56, %dma_wait3A] : memref<819200x128xf32, #tpu.memory_space<hbm>> -> memref<400x128xf32, #tpu.memory_space<hbm>>
    %dma_wait3A_58 = arith.constant 0 : i32
    %dma_wait3A_59 = tpu.memref_slice %arg4[%multiple_of3A_56, %dma_wait3A_58] : memref<819200x128xf32, #tpu.memory_space<hbm>> -> memref<400x128xf32, #tpu.memory_space<hbm>>
    tpu.wait_dma2 semaphore(%arg10 : memref<!tpu.dma_semaphore, #tpu.memory_space<semaphore_mem>>) src(%arg6 : memref<400x128xf32, #tpu.memory_space<vmem>>) dst(%dma_wait3A_59 : memref<400x128xf32, #tpu.memory_space<hbm>>)
    %add3A_60 = arith.constant 25200 : i32
    %add3A_61 = arith.addi %mul3A_2, %add3A_60 : i32
    %multiple_of3A_62 = tpu.assume_multiple %add3A_61, 16 : i32
    %dma_wait3A_63 = arith.constant 0 : i32
    %dma_wait3A_64 = tpu.memref_slice %arg4[%multiple_of3A_62, %dma_wait3A_63] : memref<819200x128xf32, #tpu.memory_space<hbm>> -> memref<400x128xf32, #tpu.memory_space<hbm>>
    %dma_wait3A_65 = arith.constant 0 : i32
    %dma_wait3A_66 = tpu.memref_slice %arg4[%multiple_of3A_62, %dma_wait3A_65] : memref<819200x128xf32, #tpu.memory_space<hbm>> -> memref<400x128xf32, #tpu.memory_space<hbm>>
    tpu.wait_dma2 semaphore(%arg11 : memref<!tpu.dma_semaphore, #tpu.memory_space<semaphore_mem>>) src(%arg7 : memref<400x128xf32, #tpu.memory_space<vmem>>) dst(%dma_wait3A_66 : memref<400x128xf32, #tpu.memory_space<hbm>>)
    return
  }
}

module attributes {stable_mosaic.version = 14 : i64} {
  func.func @body(%arg0: i32, %arg1: memref<100x16384xf32, #tpu.memory_space<vmem>>, %arg2: memref<16384x128xf32, #tpu.memory_space<vmem>>) attributes {dimension_semantics = [#tpu.dimension_semantics<arbitrary>], iteration_bounds = array<i64: 7>, scalar_prefetch = 0 : i64, scratch_operands = 0 : i64, tpu.core_type = #tpu.core_type<tc>, window_params = [{transform_indices = @transform_0, window_bounds = array<i64: 100, 16384>}, {transform_indices = @transform_1, window_bounds = array<i64: 16384, 128>}]} {
    %get3A = arith.constant 0 : index
    %get3A_0 = arith.constant 0 : index
    %get3A_1 = vector.load %arg1[%get3A, %get3A_0] : memref<100x16384xf32, #tpu.memory_space<vmem>>, vector<100x16384xf32>
    %transpose3A = tpu.transpose %get3A_1, [1, 0] : vector<100x16384xf32> -> vector<16384x100xf32>
    %swap3A = arith.constant 0 : index
    %swap3A_2 = arith.constant 0 : index
    %swap3A_3 = vector.load %arg2[%swap3A, %swap3A_2] : memref<16384x128xf32, #tpu.memory_space<vmem>>, vector<16384x100xf32>
    tpu.vector_store %arg2[%swap3A, %swap3A_2], %transpose3A {strides = array<i32>} : memref<16384x128xf32, #tpu.memory_space<vmem>>, vector<16384x100xf32>,
    %broadcast_in_dim3A = arith.constant 0.000000e+00 : f32
    %broadcast_in_dim3A_4 = vector.broadcast %broadcast_in_dim3A : f32 to vector<16384x28xf32>
    %swap3A_5 = arith.constant 0 : index
    %swap3A_6 = arith.constant 100 : index
    %swap3A_7 = vector.load %arg2[%swap3A_5, %swap3A_6] : memref<16384x128xf32, #tpu.memory_space<vmem>>, vector<16384x28xf32>
    tpu.vector_store %arg2[%swap3A_5, %swap3A_6], %broadcast_in_dim3A_4 {strides = array<i32>} : memref<16384x128xf32, #tpu.memory_space<vmem>>, vector<16384x28xf32>,
    return
  }
  func.func @transform_0(%arg0: i32) -> (i32, i32) {
    %c0_i32 = arith.constant 0 : i32
    %c0_i32_0 = arith.constant 0 : i32
    return %c0_i32, %arg0 : i32, i32
  }
  func.func @transform_1(%arg0: i32) -> (i32, i32) {
    %c0_i32 = arith.constant 0 : i32
    %c0_i32_0 = arith.constant 0 : i32
    return %arg0, %c0_i32 : i32, i32
  }
}

</mosaic_0001>

<sc_bundles>
// kernel: kernel.4.cloned.1.call-start
scs
__scs_entry_jumppad:
0x0: {  	(pc) =	sbr.rel $0x88, $3  }
0x1: {  	(tag) =	ssettag $0x0;
	lr =	simm.s32 $0x1  }
0x2: {  	[smem:$0x3F9F] =	sst lr;
	_ =	strace $0xD0000000  }
0x3: {  	_ = 	snop  }
0x4: {  	_ = 	snop  }
0x5: {  	_ = 	snop  }
0x6: {  	_ = 	snop  }
0x7: {  	_ = 	snop  }
__scs_overlays_trampoline_lowered:
0x8: {  	[smem:$0x3FAE] =	sst s0  }
0x9: {  	[smem:$0x3FAF] =	sst s1  }
0xa: {  	[smem:$0x3FB0] =	sst s2  }
0xb: {  	[smem:$0x3FB1] =	sst s3  }
0xc: {  	[smem:$0x3FB2] =	sst s4  }
0xd: {  	[smem:$0x3FB3] =	sst s5  }
0xe: {  	[smem:$0x3FB4] =	sst s6  }
0xf: {  	[smem:$0x3FB5] =	sst s7  }
0x10: {  	[smem:$0x3FB6] =	sst s8  }
0x11: {  	[smem:$0x3FB7] =	sst s9;
	s0 =	simm.s32 @!p0 $0x0  }
0x12: {  	s1 =	sld [smem:$0x3F9D];
	s0 =	simm.s32 @p0 $0x1  }
0x13: {  	[smem:$0x3FB8] =	sst s0;
	s0 =	simm.s32 @!p1 $0x0  }
0x14: {  	s2 =	sld [smem:$0x3F9C];
	s0 =	simm.s32 @p1 $0x1  }
0x15: {  	[smem:$0x3FB9] =	sst s0;
	s0 =	simm.s32 @!p2 $0x0  }
0x16: {  	s3 =	sld [smem:$0x3FDB];
	s0 =	simm.s32 @p2 $0x1  }
0x17: {  	s4 =	simm.s32 $0x1BF5;
	[smem:$0x3FBB] =	sst s0  }
0x18: {  	s0 =	sld [smem:$0x3F9E];
	_ =	swait.ge [sflag:s4], $0x0  }
0x19: {  	s7 =	sld [smem:$0x3F9F]  }
0x1a: {  	s8 =	sadd.s32 $0xFFFFE003, lr  }
0x1b: {  	s9 =	sadd.s32 $0xFFFFFEF7, lr;
	s5 =	simm.s32 $0xFFFFFFFF;
	p2 =	slt.u32 s8, $0xFFFFF086  }
0x1c: {  	p1 =	slt.u32 s9, $0xF7A;
	s5 =	simm.s32 @!p2 $0x0  }
0x1d: {  	s5 =	simm.s32 @p1 $0x1;
	p0 =	seq.s32 s7, s2  }
0x1e: {  	s7 =	smul.u32 @!p0 $0xF7A, s2;
	p2 =	seq.s32 @!p0 s5, $0x0  }
0x1f: {  	s9 =	smul.u32 $0xF7A, s1;
	s8 =	simm.s32 @!p0 $0x1BF5;
	p2 =	por !p2, p0  }
0x20: {  	[sflag:s8] =	ssyncset.s32 @!p0 $0xFFFFF086;
	s6 =	sadd.s32 @!p0 s3, s7;
	s7 =	simm.s32 @!p0 $0x108  }
0x21: {  	s3 =	sadd.s32 s3, s9;
	s6 =	sadd.s32 @!p0 $0x88, s6;
	s7 =	simm.s32 @p2 $0x1082  }
0x22: {  	[simem:s7], [sflag:s8] =	dma.local @!p0 [hbm:s6], $0xF7A  }
0x23: {  	s9 =	sor.u32 $0xD0000000, s2;
	s6 =	simm.s32 $0x108;
	_ =	swait.ge @!p0 [sflag:s8], $0x0  }
0x24: {  	s3 =	sadd.s32 $0x88, s3;
	s6 =	simm.s32 @!p1 $0x1082;
	[sflag:s4] =	ssyncset.s32 $0xFFFFF086  }
0x25: {  	[simem:s6], [sflag:s4] =	dma.local [hbm:s3], $0xF7A  }
0x26: {  	[smem:$0x3F9F] =	sst s1;
	(tag) =	ssettag s2;
	_ =	strace s9  }
0x27: {  	s1 =	sld [smem:$0x3FAF]  }
0x28: {  	s2 =	sld [smem:$0x3FB0]  }
0x29: {  	s4 =	sld [smem:$0x3FB2]  }
0x2a: {  	p0 =	seq.s32 s5, $0x0;
	s5 =	sld [smem:$0x3FB3]  }
0x2b: {  	s6 =	sld [smem:$0x3FB4]  }
0x2c: {  	s7 =	sld [smem:$0x3FB5]  }
0x2d: {  	s3 =	simm.s32 $0x108;
	s8 =	sld [smem:$0x3FB6]  }
0x2e: {  	s3 =	simm.s32 @!p0 $0x1082;
	s9 =	sld [smem:$0x3FB7]  }
0x2f: {  	lr =	sadd.s32 s0, s3;
	s0 =	sld [smem:$0x3FAE]  }
0x30: {  	s3 =	sld [smem:$0x3FB1]  }
0x31: {  	[smem:$0x3FBA] =	sst s10  }
0x32: {  	s10 =	sld [smem:$0x3FB8];
	_ =	sdelay $0x3  }
0x33: {  	p0 =	seq.s32 s10, $0x1;
	s10 =	sld [smem:$0x3FBA];
	_ =	sdelay $0x3  }
0x34: {  	[smem:$0x3FBA] =	sst s10  }
0x35: {  	s10 =	sld [smem:$0x3FB9];
	_ =	sdelay $0x3  }
0x36: {  	p1 =	seq.s32 s10, $0x1;
	s10 =	sld [smem:$0x3FBA];
	_ =	sdelay $0x3  }
0x37: {  	[smem:$0x3FBA] =	sst s10  }
0x38: {  	s10 =	sld [smem:$0x3FBB]  }
0x39: {  	_ = 	snop;
	(pc) =	sbr.ind lr, $3  }
0x3a: {  	_ = 	snop  }
0x3b: {  	_ = 	snop  }
0x3c: {  	p2 =	seq.s32 s10, $0x1;
	s10 =	sld [smem:$0x3FBA]  }
0x3d: {  	_ =	shalt  }
0x3e: {  	_ =	shalt  }
0x3f: {  	_ =	shalt  }
0x40: {  	_ =	shalt  }
0x41: {  	_ =	shalt  }
0x42: {  	_ =	shalt  }
0x43: {  	_ =	shalt  }
0x44: {  	_ =	shalt  }
0x45: {  	_ =	shalt  }
0x46: {  	_ =	shalt  }
0x47: {  	_ =	shalt  }
0x48: {  	_ =	shalt  }
0x49: {  	_ =	shalt  }
0x4a: {  	_ =	shalt  }
0x4b: {  	_ =	shalt  }
0x4c: {  	_ =	shalt  }
0x4d: {  	_ =	shalt  }
0x4e: {  	_ =	shalt  }
0x4f: {  	_ =	shalt  }
0x50: {  	_ =	shalt  }
0x51: {  	_ =	shalt  }
0x52: {  	_ =	shalt  }
0x53: {  	_ =	shalt  }
0x54: {  	_ =	shalt  }
0x55: {  	_ =	shalt  }
0x56: {  	_ =	shalt  }
0x57: {  	_ =	shalt  }
0x58: {  	_ =	shalt  }
0x59: {  	_ =	shalt  }
0x5a: {  	_ =	shalt  }
0x5b: {  	_ =	shalt  }
0x5c: {  	_ =	shalt  }
0x5d: {  	_ =	shalt  }
0x5e: {  	_ =	shalt  }
0x5f: {  	_ =	shalt  }
0x60: {  	_ =	shalt  }
0x61: {  	_ =	shalt  }
0x62: {  	_ =	shalt  }
0x63: {  	_ =	shalt  }
0x64: {  	_ =	shalt  }
0x65: {  	_ =	shalt  }
0x66: {  	_ =	shalt  }
0x67: {  	_ =	shalt  }
0x68: {  	_ =	shalt  }
0x69: {  	_ =	shalt  }
0x6a: {  	_ =	shalt  }
0x6b: {  	_ =	shalt  }
0x6c: {  	_ =	shalt  }
0x6d: {  	_ =	shalt  }
0x6e: {  	_ =	shalt  }
0x6f: {  	_ =	shalt  }
0x70: {  	_ =	shalt  }
0x71: {  	_ =	shalt  }
0x72: {  	_ =	shalt  }
0x73: {  	_ =	shalt  }
0x74: {  	_ =	shalt  }
0x75: {  	_ =	shalt  }
0x76: {  	_ =	shalt  }
0x77: {  	_ =	shalt  }
0x78: {  	_ =	shalt  }
0x79: {  	_ =	shalt  }
0x7a: {  	_ =	shalt  }
0x7b: {  	_ =	shalt  }
0x7c: {  	_ =	shalt  }
0x7d: {  	_ =	shalt  }
0x7e: {  	_ =	shalt  }
0x7f: {  	_ =	shalt  }
0x80: {  	_ =	shalt  }
0x81: {  	_ =	shalt  }
0x82: {  	_ =	shalt  }
0x83: {  	_ =	shalt  }
0x84: {  	_ =	shalt  }
0x85: {  	_ =	shalt  }
0x86: {  	_ =	shalt  }
0x87: {  	_ =	shalt  }
.Lfunc_end0:
.L_simem_size_0:
called_computation.1_lowered:
.L_overlay_start_0:
0x88: {  	s2 =	sld [smem:$0x3FD9]  }
0x89: {  	s3 =	sld [smem:$0x3FFE];
	_ =	sdelay $0x1  }
0x8a: {  	s1 =	srdreg.scid  }
0x8b: {  	s0 =	sand.u32 $0x1, s1  }
0x8c: {  	s17 =	sshll.u32 s0, $0xA;
	s2 =	sadd.s32 s3, s2  }
0x8d: {  	s2 =	sadd.s32 s2, s17  }
0x8e: {  	[smem:$0x3FC6] =	sst s2  }
0x8f: {  	_ = 	snop  }
0x90: {  	s2 =	sld [smem:$0x3FD0];
	(tm) =	ssettm $0x1  }
0x91: {  	s18 =	sld [smem:$0x3FFB];
	_ =	sdelay $0x3  }
0x92: {  	_ =	strace s18  }
0x93: {  	s3 =	sld [smem:$0x3FFC];
	_ =	sdelay $0x3  }
0x94: {  	_ =	strace s3  }
0x95: {  	s3 =	sld [smem:$0x3FFD];
	_ =	sdelay $0x3  }
0x96: {  	_ =	strace s3  }
0x97: {  	_ =	strace $0x8FFFFFFF  }
0x98: {  	s19 =	sld [smem:$0x3FDB];
	_ =	sdelay $0x1  }
0x99: {  	s4 =	simm.s32 $_scs_section_size  }
0x9a: {  	s5 =	simm.s32 $_size__tile_overlayer_lowered;
	s6 =	simm.s32 $_tile_overlayer_lowered  }
0x9b: {  	s22 =	simm.s32 $0x1BFF;
	s21 =	sshll.u32 s6, $0x1;
	s3 =	sadd.s32 s4, s19  }
0x9c: {  	s7 =	simm.s32 $0x0;
	s20 =	sshll.u32 s5, $0x1;
	s5 =	sadd.s32 s21, s3  }
0x9d: {  	[timem:s7], [sflag:s22] =	dma.local [hbm:s5], s20  }
0x9e: {  	_ =	swait.ge [sflag:s22], s20  }
0x9f: {  	s4 =	ssub.s32 $0x0, s20;
	[sflag:s22] =	ssyncset.done $0x0  }
0xa0: {  	[sflag:s22] =	ssyncadd.s32 s4;
	_ =	sdelay $0x1  }
0xa1: {  	s23 =	simm.s32 $0x1B8B  }
0xa2: {  	_ =	swait.ge [sflag:s23], $0x1  }
0xa3: {  	[sflag:s23] =	ssyncset.done $0x0  }
0xa4: {  	s25 =	simm.s32 $0x1B8E;
	s24 =	sld [smem:$0x3FFE];
	[sflag:s23] =	ssyncadd.s32 $0xFFFFFFFF  }
0xa5: {  	s26 =	simm.s32 $execute0_lowered;
	[smem:$0x3FD2] =	sst s25  }
0xa6: {  	s5 =	sshll.u32 s26, $0x1;
	_ =	strace $0x80000046;
	[dreg:$0x1] =	wrdreg $0xFFFFFFFF  }
0xa7: {  	s28 =	simm.s32 $_size_execute0_lowered;
	s3 =	sadd.s32 s3, s5;
	[dreg:$0x0] =	wrdreg $0x0  }
0xa8: {  	s5 =	sshll.u32 s28, $0x1;
	[dreg:$0x2] =	wrdreg s3  }
0xa9: {  	[dreg:$0x3] =	wrdreg s5  }
0xaa: {  	[dreg:$0x4] =	wrdreg $0xC0  }
0xab: {  	_ =	task [dreg:s7], $0x5FFFF  }
0xac: {  	[dreg:$0x1] =	wrdreg $0xFFFFFFFF  }
0xad: {  	[dreg:$0x0] =	wrdreg $0x60  }
0xae: {  	[dreg:$0x2] =	wrdreg s24  }
0xaf: {  	[dreg:$0x3] =	wrdreg s2  }
0xb0: {  	[dreg:$0x4] =	wrdreg $0x9  }
0xb1: {  	_ =	task.clear_ibuf [dreg:s7], $0x5FFFF;
	_ =	strace $0x90000046  }
0xb2: {  	s29 =	simm.s32 $0x9;
	_ =	strace $0x80000048  }
0xb3: {  	_ =	swait.ge [sflag:s29], $0x1  }
0xb4: {  	[sflag:s29] =	ssyncadd.s32 $0xFFFFFFFF  }
0xb5: {  	_ =	strace $0x90000048  }
0xb6: {  	_ =	sfence  }
0xb7: {  	s30 =	sld [smem:$0x0];
	_ =	sdelay $0x2  }
0xb8: {  	s31 =	sshll.u32 s1, $0xD;
	s1 =	sshrl.u32 s1, $0x2  }
0xb9: {  	s3 =	sand.u32 $0x4000, s31;
	s1 =	sadd.s32 s1, s30  }
0xba: {  	s0 =	sor.u32 s3, s0;
	s1 =	sshll.u32 s1, $0x11  }
0xbb: {  	s0 =	sor.u32 s1, s0  }
0xbc: {  	s0 =	sadd.s32 $0x8F2B, s0  }
0xbd: {  	[sflag:s0] =	ssyncadd.remote.s32 $0x1  }
0xbe: {  	_ =	sfence.sel $0xFFFF  }
0xbf: {  	[dreg:$0x0] =	wrdreg $0xFFFFFFFF;
	(pc) =	sbr.abs _section_cstart, $3  }
0xc0: {  	[dreg:$0x1] =	wrdreg $0xFFFFFFFF  }
0xc1: {  	_ =	task.clear_ibuf [dreg:s7], $0x2FFFF;
	_ =	strace $0x9FFFFFFF  }
0xc2: {  	(tm) =	ssettm $0x7FFFFFFF  }
0xc3: {  	_ =	shalt  }
tec
execute0_lowered:
.L_overlay_start_1:
0x0: {  	(tag) =	ssettag $0x1  }
0x1: {  	s0 =	srdreg.scid;
	s1 =	rddreg [dreg:$0x0]  }
0x2: {  	s7 =	stileid.u32;
	s2 =	rddreg [dreg:$0x1]  }
0x3: {  	s10 =	simm.s32 $0x5;
	s11 =	simm.s32 $0x50;
	s12 =	simm.s32 $0x6400  }
0x4: {  	s13 =	simm.s32 $0x8C00;
	s15 =	simm.s32 $0xB400;
	s17 =	simm.s32 $0xDC00  }
0x5: {  	s19 =	simm.s32 $0x10400;
	s21 =	simm.s32 $0x12C00;
	s23 =	simm.s32 $0x15400  }
0x6: {  	s25 =	simm.s32 $0x17C00;
	s28 =	simm.s32 $0x1A400;
	s30 =	simm.s32 $0x1CC00  }
0x7: {  	s31 =	simm.s32 $0x1;
	s0 =	sand.u32 $0x1, s0;
	s3 =	sshll.u32 s7, $0x1  }
0x8: {  	s22 =	simm.s32 $0x460;
	s7 =	smul.u32 $0xC8000, s7;
	s4 =	sor.u32 s0, s3  }
0x9: {  	s24 =	simm.s32 $0x4;
	s3 =	simm.s32 $0x0;
	s5 =	smul.u32 $0x6400, s4  }
0xa: {  	s29 =	ssub.s32 $0x2, s0;
	s0 =	smul.u32 $0x64000, s0;
	[smem:$0x7FF] =	sst s3  }
0xb: {  	s6 =	smul.u32 $0x64000, s4;
	s8 =	sshrl.u32 s29, $0x1;
	s5 =	sshrl.u32 s5, $0x3  }
0xc: {  	_ =	strace $0x80000047;
	s26 =	sadd.s32 s5, s1;
	s1 =	sadd.s32 $0x19800, s1  }
0xd: {  	s5 =	ssub.s32 s29, s8;
	s4 =	sadd.s32 $0x800, s26;
	s7 =	sadd.s32 s7, s1  }
0xe: {  	s5 =	smax.u32 s5, $0x1;
	s6 =	sadd.s32 s1, s6;
	s1 =	simm.s32 $0x2  }
0xf: {  	s26 =	simm.s32 $0x0;
	s0 =	sadd.s32 s0, s7;
	s7 =	sadd.s32 $0x1900, s6  }
0x10: {  	s8 =	sadd.s32 $0x60E00, s6;
	s16 =	sadd.s32 $0x4B00, s0;
	s0 =	simm.s32 $0x3  }
.LBB2_1:
0x11: {  	[tilespmem:s3], [sflag:$0x5] =	stream.linear.gather [hbm4b:s4+s3], $0x6400, $0x38;
	[tilespmem:$0x1F400] =	vst v63  }
0x12: {  	_ =	swait.ge [sflag:s10], $0x6400  }
0x13: {  	[sflag:s10] =	ssyncset.done $0x0  }
0x14: {  	[sflag:s10] =	ssyncadd.s32 $0xFFFF9C00  }
0x15: {  	[tilespmem:s12], [sflag:$0x1] =	stream.indirect.gather [hbm4b:s2+s11], $0x80, s3, s11, $0xb8;
	[tilespmem:$0x1F400] =	vst v63  }
0x16: {  	_ = 	snop  }
0x17: {  	[tilespmem:s13], [sflag:$0x1] =	stream.indirect.gather [hbm4b:s2+s11], $0x80, s11, s11, $0xb8;
	[tilespmem:$0x1F400] =	vst v63  }
0x18: {  	s9 =	simm.s32 $0xA0  }
0x19: {  	[tilespmem:s15], [sflag:$0x1] =	stream.indirect.gather [hbm4b:s2+s11], $0x80, s9, s11, $0xb8;
	[tilespmem:$0x1F400] =	vst v63  }
0x1a: {  	s20 =	simm.s32 $0xF0  }
0x1b: {  	[tilespmem:s17], [sflag:$0x1] =	stream.indirect.gather [hbm4b:s2+s11], $0x80, s20, s11, $0xb8;
	[tilespmem:$0x1F400] =	vst v63  }
0x1c: {  	s14 =	simm.s32 $0x140  }
0x1d: {  	[tilespmem:s19], [sflag:$0x1] =	stream.indirect.gather [hbm4b:s2+s11], $0x80, s14, s11, $0xb8;
	[tilespmem:$0x1F400] =	vst v63  }
0x1e: {  	s18 =	simm.s32 $0x190  }
0x1f: {  	[tilespmem:s21], [sflag:$0x2] =	stream.indirect.gather [hbm4b:s2+s11], $0x80, s18, s11, $0xb8;
	[tilespmem:$0x1F400] =	vst v63  }
0x20: {  	s20 =	simm.s32 $0x1E0  }
0x21: {  	[tilespmem:s23], [sflag:$0x2] =	stream.indirect.gather [hbm4b:s2+s11], $0x80, s20, s11, $0xb8;
	[tilespmem:$0x1F400] =	vst v63  }
0x22: {  	s14 =	simm.s32 $0x230  }
0x23: {  	[tilespmem:s25], [sflag:$0x2] =	stream.indirect.gather [hbm4b:s2+s11], $0x80, s14, s11, $0xb8;
	[tilespmem:$0x1F400] =	vst v63  }
0x24: {  	s18 =	simm.s32 $0x280  }
0x25: {  	[tilespmem:s28], [sflag:$0x2] =	stream.indirect.gather [hbm4b:s2+s11], $0x80, s18, s11, $0xb8;
	[tilespmem:$0x1F400] =	vst v63  }
0x26: {  	s20 =	simm.s32 $0x2D0  }
0x27: {  	[tilespmem:s30], [sflag:$0x2] =	stream.indirect.gather [hbm4b:s2+s11], $0x80, s20, s11, $0xb8;
	[tilespmem:$0x1F400] =	vst v63  }
0x28: {  	_ =	swait.ge [sflag:s31], $0x2800  }
0x29: {  	[sflag:s31] =	ssyncset.done $0x0  }
0x2a: {  	[sflag:s31] =	ssyncadd.s32 $0xFFFFD800  }
0x2b: {  	_ =	swait.ge [sflag:s31], $0x2800  }
0x2c: {  	[sflag:s31] =	ssyncset.done $0x0  }
0x2d: {  	[sflag:s31] =	ssyncadd.s32 $0xFFFFD800  }
0x2e: {  	_ =	swait.ge [sflag:s31], $0x2800  }
0x2f: {  	[sflag:s31] =	ssyncset.done $0x0  }
0x30: {  	[sflag:s31] =	ssyncadd.s32 $0xFFFFD800  }
0x31: {  	_ =	swait.ge [sflag:s31], $0x2800  }
0x32: {  	[sflag:s31] =	ssyncset.done $0x0  }
0x33: {  	[sflag:s31] =	ssyncadd.s32 $0xFFFFD800  }
0x34: {  	_ =	swait.ge [sflag:s31], $0x2800  }
0x35: {  	[sflag:s31] =	ssyncset.done $0x0  }
0x36: {  	[sflag:s31] =	ssyncadd.s32 $0xFFFFD800  }
0x37: {  	[hbm4b:s6+s3] =	stream.linear.scatter [tilespmem:s12], [sflag:$0x3], $0xC800, $0x38;
	[tilespmem:$0x1F400] =	vst v63  }
0x38: {  	_ =	swait.ge [sflag:s1], $0x2800  }
0x39: {  	[sflag:s1] =	ssyncset.done $0x0  }
0x3a: {  	[sflag:s1] =	ssyncadd.s32 $0xFFFFD800  }
0x3b: {  	_ =	swait.ge [sflag:s1], $0x2800  }
0x3c: {  	[sflag:s1] =	ssyncset.done $0x0  }
0x3d: {  	[sflag:s1] =	ssyncadd.s32 $0xFFFFD800  }
0x3e: {  	_ =	swait.ge [sflag:s1], $0x2800  }
0x3f: {  	[sflag:s1] =	ssyncset.done $0x0  }
0x40: {  	[sflag:s1] =	ssyncadd.s32 $0xFFFFD800  }
0x41: {  	_ =	swait.ge [sflag:s1], $0x2800  }
0x42: {  	[sflag:s1] =	ssyncset.done $0x0  }
0x43: {  	[sflag:s1] =	ssyncadd.s32 $0xFFFFD800  }
0x44: {  	_ =	swait.ge [sflag:s1], $0x2800  }
0x45: {  	[sflag:s1] =	ssyncset.done $0x0  }
0x46: {  	[sflag:s1] =	ssyncadd.s32 $0xFFFFD800  }
0x47: {  	_ =	swait.ge [sflag:s0], $0xC800  }
0x48: {  	[sflag:s0] =	ssyncset.done $0x0  }
0x49: {  	s14 =	simm.s32 $0x320;
	[sflag:s0] =	ssyncadd.s32 $0xFFFF3800  }
0x4a: {  	[tilespmem:s12], [sflag:$0x1] =	stream.indirect.gather [hbm4b:s2+s11], $0x80, s14, s11, $0xb8;
	[tilespmem:$0x1F400] =	vst v63  }
0x4b: {  	s18 =	simm.s32 $0x370  }
0x4c: {  	[tilespmem:s13], [sflag:$0x1] =	stream.indirect.gather [hbm4b:s2+s11], $0x80, s18, s11, $0xb8;
	[tilespmem:$0x1F400] =	vst v63  }
0x4d: {  	s20 =	simm.s32 $0x3C0  }
0x4e: {  	[tilespmem:s15], [sflag:$0x1] =	stream.indirect.gather [hbm4b:s2+s11], $0x80, s20, s11, $0xb8;
	[tilespmem:$0x1F400] =	vst v63  }
0x4f: {  	s14 =	simm.s32 $0x410  }
0x50: {  	[tilespmem:s17], [sflag:$0x1] =	stream.indirect.gather [hbm4b:s2+s11], $0x80, s14, s11, $0xb8;
	[tilespmem:$0x1F400] =	vst v63  }
0x51: {  	_ = 	snop  }
0x52: {  	[tilespmem:s19], [sflag:$0x1] =	stream.indirect.gather [hbm4b:s2+s11], $0x80, s22, s11, $0xb8;
	[tilespmem:$0x1F400] =	vst v63  }
0x53: {  	_ = 	snop  }
0x54: {  	[hbm4b:s7+s3] =	stream.linear.scatter [tilespmem:s21], [sflag:$0x4], $0xC800, $0x38;
	[tilespmem:$0x1F400] =	vst v63  }
0x55: {  	_ =	swait.ge [sflag:s24], $0xC800  }
0x56: {  	[sflag:s24] =	ssyncset.done $0x0  }
0x57: {  	s18 =	simm.s32 $0x4B0;
	[sflag:s24] =	ssyncadd.s32 $0xFFFF3800  }
0x58: {  	[tilespmem:s21], [sflag:$0x2] =	stream.indirect.gather [hbm4b:s2+s11], $0x80, s18, s11, $0xb8;
	[tilespmem:$0x1F400] =	vst v63  }
0x59: {  	s20 =	simm.s32 $0x500  }
0x5a: {  	[tilespmem:s23], [sflag:$0x2] =	stream.indirect.gather [hbm4b:s2+s11], $0x80, s20, s11, $0xb8;
	[tilespmem:$0x1F400] =	vst v63  }
0x5b: {  	s14 =	simm.s32 $0x550  }
0x5c: {  	[tilespmem:s25], [sflag:$0x2] =	stream.indirect.gather [hbm4b:s2+s11], $0x80, s14, s11, $0xb8;
	[tilespmem:$0x1F400] =	vst v63  }
0x5d: {  	s18 =	simm.s32 $0x5A0  }
0x5e: {  	[tilespmem:s28], [sflag:$0x2] =	stream.indirect.gather [hbm4b:s2+s11], $0x80, s18, s11, $0xb8;
	[tilespmem:$0x1F400] =	vst v63  }
0x5f: {  	s20 =	simm.s32 $0x5F0  }
0x60: {  	[tilespmem:s30], [sflag:$0x2] =	stream.indirect.gather [hbm4b:s2+s11], $0x80, s20, s11, $0xb8;
	[tilespmem:$0x1F400] =	vst v63  }
0x61: {  	_ =	swait.ge [sflag:s31], $0x2800  }
0x62: {  	[sflag:s31] =	ssyncset.done $0x0  }
0x63: {  	[sflag:s31] =	ssyncadd.s32 $0xFFFFD800  }
0x64: {  	_ =	swait.ge [sflag:s31], $0x2800  }
0x65: {  	[sflag:s31] =	ssyncset.done $0x0  }
0x66: {  	[sflag:s31] =	ssyncadd.s32 $0xFFFFD800  }
0x67: {  	_ =	swait.ge [sflag:s31], $0x2800  }
0x68: {  	[sflag:s31] =	ssyncset.done $0x0  }
0x69: {  	[sflag:s31] =	ssyncadd.s32 $0xFFFFD800  }
0x6a: {  	_ =	swait.ge [sflag:s31], $0x2800  }
0x6b: {  	[sflag:s31] =	ssyncset.done $0x0  }
0x6c: {  	[sflag:s31] =	ssyncadd.s32 $0xFFFFD800  }
0x6d: {  	_ =	swait.ge [sflag:s31], $0x2800  }
0x6e: {  	[sflag:s31] =	ssyncset.done $0x0  }
0x6f: {  	s14 =	sadd.s32 $0xFFFFE700, s16;
	[sflag:s31] =	ssyncadd.s32 $0xFFFFD800  }
0x70: {  	[hbm4b:s14+s3] =	stream.linear.scatter [tilespmem:s12], [sflag:$0x3], $0xC800, $0x38;
	[tilespmem:$0x1F400] =	vst v63  }
0x71: {  	_ =	swait.ge [sflag:s1], $0x2800  }
0x72: {  	[sflag:s1] =	ssyncset.done $0x0  }
0x73: {  	[sflag:s1] =	ssyncadd.s32 $0xFFFFD800  }
0x74: {  	_ =	swait.ge [sflag:s1], $0x2800  }
0x75: {  	[sflag:s1] =	ssyncset.done $0x0  }
0x76: {  	[sflag:s1] =	ssyncadd.s32 $0xFFFFD800  }
0x77: {  	_ =	swait.ge [sflag:s1], $0x2800  }
0x78: {  	[sflag:s1] =	ssyncset.done $0x0  }
0x79: {  	[sflag:s1] =	ssyncadd.s32 $0xFFFFD800  }
0x7a: {  	_ =	swait.ge [sflag:s1], $0x2800  }
0x7b: {  	[sflag:s1] =	ssyncset.done $0x0  }
0x7c: {  	[sflag:s1] =	ssyncadd.s32 $0xFFFFD800  }
0x7d: {  	_ =	swait.ge [sflag:s1], $0x2800  }
0x7e: {  	[sflag:s1] =	ssyncset.done $0x0  }
0x7f: {  	[sflag:s1] =	ssyncadd.s32 $0xFFFFD800  }
0x80: {  	_ =	swait.ge [sflag:s0], $0xC800  }
0x81: {  	[sflag:s0] =	ssyncset.done $0x0  }
0x82: {  	s18 =	simm.s32 $0x640;
	[sflag:s0] =	ssyncadd.s32 $0xFFFF3800  }
0x83: {  	[tilespmem:s12], [sflag:$0x1] =	stream.indirect.gather [hbm4b:s2+s11], $0x80, s18, s11, $0xb8;
	[tilespmem:$0x1F400] =	vst v63  }
0x84: {  	s20 =	simm.s32 $0x690  }
0x85: {  	[tilespmem:s13], [sflag:$0x1] =	stream.indirect.gather [hbm4b:s2+s11], $0x80, s20, s11, $0xb8;
	[tilespmem:$0x1F400] =	vst v63  }
0x86: {  	s14 =	simm.s32 $0x6E0  }
0x87: {  	[tilespmem:s15], [sflag:$0x1] =	stream.indirect.gather [hbm4b:s2+s11], $0x80, s14, s11, $0xb8;
	[tilespmem:$0x1F400] =	vst v63  }
0x88: {  	s29 =	sadd.s32 $0x3200, s16;
	s18 =	simm.s32 $0x730  }
0x89: {  	[tilespmem:s17], [sflag:$0x1] =	stream.indirect.gather [hbm4b:s2+s11], $0x80, s18, s11, $0xb8;
	[tilespmem:$0x1F400] =	vst v63  }
0x8a: {  	s9 =	smov.u32 s16;
	s20 =	simm.s32 $0x780;
	s14 =	simm.s32 $0xC80  }
0x8b: {  	[tilespmem:s19], [sflag:$0x1] =	stream.indirect.gather [hbm4b:s2+s11], $0x80, s20, s11, $0xb8;
	[tilespmem:$0x1F400] =	vst v63  }
.LBB2_2:
0x8c: {  	[hbm4b:s9+s3] =	stream.linear.scatter [tilespmem:s21], [sflag:$0x4], $0xC800, $0x38;
	[tilespmem:$0x1F400] =	vst v63  }
0x8d: {  	s9 =	smov.u32 s14;
	s14 =	sadd.s32 $0xC80, s14;
	_ =	swait.ge [sflag:s24], $0xC800  }
0x8e: {  	s18 =	sshra.s32 s9, $0x2;
	p0 =	sne.s32 s14, $0x17700;
	[sflag:s24] =	ssyncset.done $0x0  }
0x8f: {  	s9 =	smov.u32 s29;
	s20 =	sadd.s32 $0x4B0, s18;
	[sflag:s24] =	ssyncadd.s32 $0xFFFF3800  }
0x90: {  	[tilespmem:s21], [sflag:$0x2] =	stream.indirect.gather [hbm4b:s2+s11], $0x80, s20, s11, $0xb8;
	[tilespmem:$0x1F400] =	vst v63  }
0x91: {  	s20 =	sadd.s32 $0x500, s18  }
0x92: {  	[tilespmem:s23], [sflag:$0x2] =	stream.indirect.gather [hbm4b:s2+s11], $0x80, s20, s11, $0xb8;
	[tilespmem:$0x1F400] =	vst v63  }
0x93: {  	s20 =	sadd.s32 $0x550, s18  }
0x94: {  	[tilespmem:s25], [sflag:$0x2] =	stream.indirect.gather [hbm4b:s2+s11], $0x80, s20, s11, $0xb8;
	[tilespmem:$0x1F400] =	vst v63  }
0x95: {  	s20 =	sadd.s32 $0x5A0, s18  }
0x96: {  	[tilespmem:s28], [sflag:$0x2] =	stream.indirect.gather [hbm4b:s2+s11], $0x80, s20, s11, $0xb8;
	[tilespmem:$0x1F400] =	vst v63  }
0x97: {  	s20 =	sadd.s32 $0x5F0, s18  }
0x98: {  	[tilespmem:s30], [sflag:$0x2] =	stream.indirect.gather [hbm4b:s2+s11], $0x80, s20, s11, $0xb8;
	[tilespmem:$0x1F400] =	vst v63  }
0x99: {  	_ =	swait.ge [sflag:s31], $0x2800  }
0x9a: {  	[sflag:s31] =	ssyncset.done $0x0  }
0x9b: {  	[sflag:s31] =	ssyncadd.s32 $0xFFFFD800  }
0x9c: {  	_ =	swait.ge [sflag:s31], $0x2800  }
0x9d: {  	[sflag:s31] =	ssyncset.done $0x0  }
0x9e: {  	[sflag:s31] =	ssyncadd.s32 $0xFFFFD800  }
0x9f: {  	_ =	swait.ge [sflag:s31], $0x2800  }
0xa0: {  	[sflag:s31] =	ssyncset.done $0x0  }
0xa1: {  	[sflag:s31] =	ssyncadd.s32 $0xFFFFD800  }
0xa2: {  	_ =	swait.ge [sflag:s31], $0x2800  }
0xa3: {  	[sflag:s31] =	ssyncset.done $0x0  }
0xa4: {  	[sflag:s31] =	ssyncadd.s32 $0xFFFFD800  }
0xa5: {  	_ =	swait.ge [sflag:s31], $0x2800  }
0xa6: {  	[sflag:s31] =	ssyncset.done $0x0  }
0xa7: {  	s20 =	sadd.s32 $0xFFFFE700, s29;
	[sflag:s31] =	ssyncadd.s32 $0xFFFFD800  }
0xa8: {  	[hbm4b:s20+s3] =	stream.linear.scatter [tilespmem:s12], [sflag:$0x3], $0xC800, $0x38;
	[tilespmem:$0x1F400] =	vst v63  }
0xa9: {  	_ =	swait.ge [sflag:s1], $0x2800  }
0xaa: {  	[sflag:s1] =	ssyncset.done $0x0  }
0xab: {  	[sflag:s1] =	ssyncadd.s32 $0xFFFFD800  }
0xac: {  	_ =	swait.ge [sflag:s1], $0x2800  }
0xad: {  	[sflag:s1] =	ssyncset.done $0x0  }
0xae: {  	[sflag:s1] =	ssyncadd.s32 $0xFFFFD800  }
0xaf: {  	_ =	swait.ge [sflag:s1], $0x2800  }
0xb0: {  	[sflag:s1] =	ssyncset.done $0x0  }
0xb1: {  	[sflag:s1] =	ssyncadd.s32 $0xFFFFD800  }
0xb2: {  	_ =	swait.ge [sflag:s1], $0x2800  }
0xb3: {  	[sflag:s1] =	ssyncset.done $0x0  }
0xb4: {  	[sflag:s1] =	ssyncadd.s32 $0xFFFFD800  }
0xb5: {  	_ =	swait.ge [sflag:s1], $0x2800  }
0xb6: {  	[sflag:s1] =	ssyncset.done $0x0  }
0xb7: {  	[sflag:s1] =	ssyncadd.s32 $0xFFFFD800  }
0xb8: {  	_ =	swait.ge [sflag:s0], $0xC800  }
0xb9: {  	[sflag:s0] =	ssyncset.done $0x0  }
0xba: {  	s20 =	sadd.s32 $0x640, s18;
	[sflag:s0] =	ssyncadd.s32 $0xFFFF3800  }
0xbb: {  	[tilespmem:s12], [sflag:$0x1] =	stream.indirect.gather [hbm4b:s2+s11], $0x80, s20, s11, $0xb8;
	[tilespmem:$0x1F400] =	vst v63  }
0xbc: {  	s20 =	sadd.s32 $0x690, s18  }
0xbd: {  	[tilespmem:s13], [sflag:$0x1] =	stream.indirect.gather [hbm4b:s2+s11], $0x80, s20, s11, $0xb8;
	[tilespmem:$0x1F400] =	vst v63  }
0xbe: {  	s20 =	sadd.s32 $0x6E0, s18  }
0xbf: {  	[tilespmem:s15], [sflag:$0x1] =	stream.indirect.gather [hbm4b:s2+s11], $0x80, s20, s11, $0xb8;
	[tilespmem:$0x1F400] =	vst v63  }
.Ltmp0:
0xc0: {  	s20 =	sadd.s32 $0x730, s18;
	(pc) =	sbr.rel @p0 .LBB2_2-.Ltmp0, $4  }
0xc1: {  	[tilespmem:s17], [sflag:$0x1] =	stream.indirect.gather [hbm4b:s2+s11], $0x80, s20, s11, $0xb8;
	[tilespmem:$0x1F400] =	vst v63  }
0xc2: {  	s18 =	sadd.s32 $0x780, s18  }
0xc3: {  	[tilespmem:s19], [sflag:$0x1] =	stream.indirect.gather [hbm4b:s2+s11], $0x80, s18, s11, $0xb8;
	[tilespmem:$0x1F400] =	vst v63  }
0xc4: {  	s29 =	sadd.s32 $0x3200, s29  }
0xc5: {  	[hbm4b:s9+s3] =	stream.linear.scatter [tilespmem:s21], [sflag:$0x4], $0xC800, $0x38;
	[tilespmem:$0x1F400] =	vst v63  }
0xc6: {  	_ =	swait.ge [sflag:s24], $0xC800  }
0xc7: {  	s9 =	sshra.s32 s14, $0x2;
	[sflag:s24] =	ssyncset.done $0x0  }
0xc8: {  	s14 =	sadd.s32 $0x4B0, s9;
	[sflag:s24] =	ssyncadd.s32 $0xFFFF3800  }
0xc9: {  	[tilespmem:s21], [sflag:$0x2] =	stream.indirect.gather [hbm4b:s2+s11], $0x80, s14, s11, $0xb8;
	[tilespmem:$0x1F400] =	vst v63  }
0xca: {  	s20 =	sadd.s32 $0x500, s9  }
0xcb: {  	[tilespmem:s23], [sflag:$0x2] =	stream.indirect.gather [hbm4b:s2+s11], $0x80, s20, s11, $0xb8;
	[tilespmem:$0x1F400] =	vst v63  }
0xcc: {  	s18 =	sadd.s32 $0x550, s9  }
0xcd: {  	[tilespmem:s25], [sflag:$0x2] =	stream.indirect.gather [hbm4b:s2+s11], $0x80, s18, s11, $0xb8;
	[tilespmem:$0x1F400] =	vst v63  }
0xce: {  	s20 =	sadd.s32 $0x5A0, s9  }
0xcf: {  	[tilespmem:s28], [sflag:$0x2] =	stream.indirect.gather [hbm4b:s2+s11], $0x80, s20, s11, $0xb8;
	[tilespmem:$0x1F400] =	vst v63  }
0xd0: {  	s9 =	sadd.s32 $0x5F0, s9  }
0xd1: {  	[tilespmem:s30], [sflag:$0x2] =	stream.indirect.gather [hbm4b:s2+s11], $0x80, s9, s11, $0xb8;
	[tilespmem:$0x1F400] =	vst v63  }
0xd2: {  	_ =	swait.ge [sflag:s31], $0x2800  }
0xd3: {  	[sflag:s31] =	ssyncset.done $0x0  }
0xd4: {  	[sflag:s31] =	ssyncadd.s32 $0xFFFFD800  }
0xd5: {  	_ =	swait.ge [sflag:s31], $0x2800  }
0xd6: {  	[sflag:s31] =	ssyncset.done $0x0  }
0xd7: {  	[sflag:s31] =	ssyncadd.s32 $0xFFFFD800  }
0xd8: {  	_ =	swait.ge [sflag:s31], $0x2800  }
0xd9: {  	[sflag:s31] =	ssyncset.done $0x0  }
0xda: {  	[sflag:s31] =	ssyncadd.s32 $0xFFFFD800  }
0xdb: {  	_ =	swait.ge [sflag:s31], $0x2800  }
0xdc: {  	[sflag:s31] =	ssyncset.done $0x0  }
0xdd: {  	[sflag:s31] =	ssyncadd.s32 $0xFFFFD800  }
0xde: {  	_ =	swait.ge [sflag:s31], $0x2800  }
0xdf: {  	[sflag:s31] =	ssyncset.done $0x0  }
0xe0: {  	[sflag:s31] =	ssyncadd.s32 $0xFFFFD800  }
0xe1: {  	[hbm4b:s8+s3] =	stream.linear.scatter [tilespmem:s12], [sflag:$0x3], $0xC800, $0x38;
	[tilespmem:$0x1F400] =	vst v63  }
0xe2: {  	_ =	swait.ge [sflag:s1], $0x2800  }
0xe3: {  	[sflag:s1] =	ssyncset.done $0x0  }
0xe4: {  	[sflag:s1] =	ssyncadd.s32 $0xFFFFD800  }
0xe5: {  	_ =	swait.ge [sflag:s1], $0x2800  }
0xe6: {  	[sflag:s1] =	ssyncset.done $0x0  }
0xe7: {  	[sflag:s1] =	ssyncadd.s32 $0xFFFFD800  }
0xe8: {  	_ =	swait.ge [sflag:s1], $0x2800  }
0xe9: {  	[sflag:s1] =	ssyncset.done $0x0  }
0xea: {  	[sflag:s1] =	ssyncadd.s32 $0xFFFFD800  }
0xeb: {  	_ =	swait.ge [sflag:s1], $0x2800  }
0xec: {  	[sflag:s1] =	ssyncset.done $0x0  }
0xed: {  	[sflag:s1] =	ssyncadd.s32 $0xFFFFD800  }
0xee: {  	_ =	swait.ge [sflag:s1], $0x2800  }
0xef: {  	[sflag:s1] =	ssyncset.done $0x0  }
0xf0: {  	s26 =	sadd.s32 $0x1, s26;
	[sflag:s1] =	ssyncadd.s32 $0xFFFFD800  }
0xf1: {  	[hbm4b:s29+s3] =	stream.linear.scatter [tilespmem:s21], [sflag:$0x4], $0xC800, $0x38;
	[tilespmem:$0x1F400] =	vst v63  }
0xf2: {  	p0 =	sne.s32 s26, s5;
	_ =	swait.ge [sflag:s0], $0xC800  }
.Ltmp1:
0xf3: {  	[sflag:s0] =	ssyncset.done $0x0;
	(pc) =	sbr.rel @p0 .LBB2_1-.Ltmp1, $4  }
0xf4: {  	[sflag:s0] =	ssyncadd.s32 $0xFFFF3800  }
0xf5: {  	_ =	swait.ge [sflag:s24], $0xC800  }
0xf6: {  	[sflag:s24] =	ssyncset.done $0x0  }
0xf7: {  	[sflag:s24] =	ssyncadd.s32 $0xFFFF3800  }
0xf8: {  	_ =	sfence.sel $0x180000  }
0xf9: {  	[bflag:$0x0] =	sbarrier.arrive $0xFFFF  }
0xfa: {  	_ =	strace $0x90000047  }
0xfb: {  	s0 =	stileid.u32;
	[bflag:$0x2] =	sbarrier.arrive $0xFFFF  }
0xfc: {  	p0 =	sne.s32 s0, $0x0;
	s0 =	rddreg [dreg:$0x2]  }
0xfd: {  	s0 =	sadd.s32 @!p0 $0x100000, s0  }
0xfe: {  	[sflag:s0] =	ssyncadd.tile.s32 @!p0 $0x1;
	_ =	shalt  }
.Lfunc_end2:
_tile_overlayer_lowered:
.L_overlay_start_2:
0xff: {  	(tag) =	ssettag $0x2  }
0x100: {  	s0 =	rddreg [dreg:$0x0];
	s2 =	stileid.u32  }
0x101: {  	s1 =	rddreg [dreg:$0x1];
	p0 =	sne.s32 s2, $0x0  }
0x102: {  	s3 =	rddreg [dreg:$0x2];
	[bflag:$0x3] =	sbarrier.arrive $0xFFFF;
	s2 =	simm.s32 @!p0 $0x1C05  }
0x103: {  	[timem:s3], [sflag:s2] =	dma.local @!p0 [hbm:s0], s1  }
0x104: {  	s0 =	simm.s32 @!p0 $0x5  }
0x105: {  	_ =	swait.ge @!p0 [sflag:s0], s1  }
0x106: {  	s1 =	ssub.s32 @!p0 $0x0, s1;
	[sflag:s0] =	ssyncset.done @!p0 $0x0  }
0x107: {  	[sflag:s0] =	ssyncadd.s32 @!p0 s1  }
0x108: {  	[bflag:$0x3] =	sbarrier.arrive $0xFFFF  }
0x109: {  	_ =	shalt  }

// kernel: sparse-core-data-format-call.cloned.1.call-start
scs
called_computation_lowered:
.L_overlay_start_0:
0x0: {  	s2 =	sld [smem:$0x3FD9]  }
0x1: {  	s3 =	sld [smem:$0x3FFE];
	_ =	sdelay $0x1  }
0x2: {  	s1 =	srdreg.scid  }
0x3: {  	s0 =	sand.u32 $0x1, s1  }
0x4: {  	s18 =	sshll.u32 s0, $0xA;
	s2 =	sadd.s32 s3, s2  }
0x5: {  	s2 =	sadd.s32 s2, s18  }
0x6: {  	[smem:$0x3FC6] =	sst s2  }
0x7: {  	_ = 	snop  }
0x8: {  	s2 =	sld [smem:$0x3FD0];
	(tm) =	ssettm $0x1  }
0x9: {  	s19 =	sld [smem:$0x3FFB];
	_ =	sdelay $0x3  }
0xa: {  	_ =	strace s19  }
0xb: {  	s3 =	sld [smem:$0x3FFC];
	_ =	sdelay $0x3  }
0xc: {  	_ =	strace s3  }
0xd: {  	s3 =	sld [smem:$0x3FFD];
	_ =	sdelay $0x3  }
0xe: {  	_ =	strace s3  }
0xf: {  	_ =	strace $0x8FFFFFFF  }
0x10: {  	s20 =	sld [smem:$0x3FDB];
	_ =	sdelay $0x1  }
0x11: {  	s4 =	simm.s32 $_scs_section_size  }
0x12: {  	s5 =	simm.s32 $_size__tile_overlayer_lowered;
	s6 =	simm.s32 $_tile_overlayer_lowered  }
0x13: {  	s23 =	simm.s32 $0x1BFF;
	s22 =	sshll.u32 s6, $0x1;
	s3 =	sadd.s32 s4, s20  }
0x14: {  	s7 =	simm.s32 $0x0;
	s21 =	sshll.u32 s5, $0x1;
	s5 =	sadd.s32 s22, s3  }
0x15: {  	[timem:s7], [sflag:s23] =	dma.local [hbm:s5], s21  }
0x16: {  	_ =	swait.ge [sflag:s23], s21  }
0x17: {  	s4 =	ssub.s32 $0x0, s21;
	[sflag:s23] =	ssyncset.done $0x0  }
0x18: {  	[sflag:s23] =	ssyncadd.s32 s4;
	_ =	sdelay $0x1  }
0x19: {  	s24 =	simm.s32 $0x1B8B  }
0x1a: {  	_ =	swait.ge [sflag:s24], $0x1  }
0x1b: {  	[sflag:s24] =	ssyncset.done $0x0  }
0x1c: {  	s26 =	simm.s32 $0x1B8E;
	s25 =	sld [smem:$0x3FFE];
	[sflag:s24] =	ssyncadd.s32 $0xFFFFFFFF  }
0x1d: {  	s27 =	simm.s32 $execute0_lowered;
	[smem:$0x3FD2] =	sst s26  }
0x1e: {  	s5 =	sshll.u32 s27, $0x1;
	_ =	strace $0x80000049;
	[dreg:$0x1] =	wrdreg $0xFFFFFFFF  }
0x1f: {  	s28 =	simm.s32 $_size_execute0_lowered;
	s3 =	sadd.s32 s3, s5;
	[dreg:$0x0] =	wrdreg $0x0  }
0x20: {  	s5 =	sshll.u32 s28, $0x1;
	[dreg:$0x2] =	wrdreg s3  }
0x21: {  	[dreg:$0x3] =	wrdreg s5  }
0x22: {  	[dreg:$0x4] =	wrdreg $0xC0  }
0x23: {  	_ =	task [dreg:s7], $0x5FFFF  }
0x24: {  	[dreg:$0x1] =	wrdreg $0xFFFFFFFF  }
0x25: {  	[dreg:$0x0] =	wrdreg $0x60  }
0x26: {  	[dreg:$0x2] =	wrdreg s25  }
0x27: {  	[dreg:$0x3] =	wrdreg s2  }
0x28: {  	[dreg:$0x4] =	wrdreg $0x9  }
0x29: {  	_ =	task.clear_ibuf [dreg:s7], $0x5FFFF;
	_ =	strace $0x90000049  }
0x2a: {  	s29 =	simm.s32 $0x9;
	_ =	strace $0x8000004B  }
0x2b: {  	_ =	swait.ge [sflag:s29], $0x1  }
0x2c: {  	[sflag:s29] =	ssyncadd.s32 $0xFFFFFFFF  }
0x2d: {  	_ =	strace $0x9000004B  }
0x2e: {  	_ =	sfence  }
0x2f: {  	s30 =	sld [smem:$0x0];
	_ =	sdelay $0x2  }
0x30: {  	s31 =	sshll.u32 s1, $0xD;
	s1 =	sshrl.u32 s1, $0x2  }
0x31: {  	s3 =	sand.u32 $0x4000, s31;
	s1 =	sadd.s32 s1, s30  }
0x32: {  	s0 =	sor.u32 s3, s0;
	s1 =	sshll.u32 s1, $0x11  }
0x33: {  	s0 =	sor.u32 s1, s0  }
0x34: {  	s0 =	sadd.s32 $0x8F2B, s0  }
0x35: {  	[sflag:s0] =	ssyncadd.remote.s32 $0x1  }
0x36: {  	_ =	sfence.sel $0xFFFF  }
0x37: {  	[dreg:$0x0] =	wrdreg $0xFFFFFFFF;
	(pc) =	sbr.abs _section_cstart, $3  }
0x38: {  	[dreg:$0x1] =	wrdreg $0xFFFFFFFF  }
0x39: {  	_ =	task.clear_ibuf [dreg:s7], $0x2FFFF;
	_ =	strace $0x9FFFFFFF  }
0x3a: {  	(tm) =	ssettm $0x7FFFFFFF  }
0x3b: {  	_ =	shalt  }
tec
execute0_lowered:
.L_overlay_start_1:
0x0: {  	(tag) =	ssettag $0x1  }
0x1: {  	s0 =	srdreg.scid  }
0x2: {  	s1 =	sshll.u32 s0, $0x4  }
0x3: {  	s6 =	rddreg [dreg:$0x0];
	s0 =	stileid.u32;
	s1 =	sand.u32 $0x10, s1  }
0x4: {  	s3 =	rddreg [dreg:$0x1];
	s1 =	sor.u32 s0, s1  }
0x5: {  	s5 =	simm.s32 $0x1;
	s31 =	simm.s32 $0x2;
	s2 =	sshll.u32 s1, $0x7  }
0x6: {  	s15 =	simm.s32 $0x0;
	s8 =	simm.s32 $0xC8000;
	s4 =	ssub.s32 $0x1000, s2  }
0x7: {  	s14 =	simm.s32 $0x0;
	s9 =	simm.s32 $0x0;
	s30 =	sand.u32 $0xF80, s4  }
0x8: {  	s10 =	simm.s32 $0x0;
	s11 =	simm.s32 $0x0;
	p0 =	sne.s32 s30, $0x0  }
.Ltmp0:
0x9: {  	s7 =	sshrl.u32 s4, $0xC;
	s5 =	simm.s32 @!p0 $0x0;
	(pc) =	sbr.rel .LBB1_1-.Ltmp0, $4  }
0xa: {  	s13 =	simm.s32 $0x0;
	s1 =	rddreg [dreg:$0x2];
	s5 =	sadd.s32 s5, s7  }
0xb: {  	_ =	strace $0x8000004A;
	s4 =	simm.s32 $0x1;
	s5 =	smul.u32 $0xC8, s5  }
0xc: {  	s6 =	sadd.s32 $0x19800, s6;
	s12 =	smov.u32 s2;
	[sflag:s4] =	ssyncpa.u1 $0x0  }
0xd: {  	[sflag:s31] =	ssyncpa.u1 $0x0;
	p0 =	por $0x0, $0x0;
	s7 =	sor.u32 $0x1, s5  }
.LBB1_4:
0xe: {  	s20 =	sshra.s32 s20, $0x2;
	s27 =	sshll.u32 s9, $0xC  }
0xf: {  	s21 =	sand.u32 $0x78, s10;
	s22 =	sshll.u32 s10, $0x3;
	s24 =	sshll.u32 s9, $0x7  }
0x10: {  	p1 =	sgt.s32 s9, $0xC7;
	s30 =	sshra.s32 s9, $0x1F;
	s25 =	sshra.s32 s10, $0x1F  }
0x11: {  	s19 =	sadd.s32 s20, s19;
	s20 =	sand.u32 $0xFFFF8000, s27;
	s23 =	sand.u32 $0xFFFFFC00, s22  }
0x12: {  	v5 =	vld [tilespmem:s17+$0xFFFFFFD0];
	[tilespmem:s18+$0x2040 ss:$0x81] =	vst.msk $0xffff, v4;
	s22 =	sand.u32 $0xC00, s22;
	s28 =	sand.u32 $0x380, s24;
	s31 =	sand.u32 s30, s9  }
0x13: {  	v58 =	vld [tilespmem:s17+$0xFFFFFFE0];
	[tilespmem:s18+$0x2850 ss:$0x81] =	vst.msk $0xffff, v3;
	s24 =	smov.u32 s10;
	s25 =	sand.u32 s25, s10;
	s20 =	sadd.s32 s23, s20  }
0x14: {  	v59 =	vld [tilespmem:s17+$0xFFFFFFF0];
	[tilespmem:s18+$0x3060 ss:$0x81] =	vst.msk $0xffff, v2;
	s21 =	sor.u32 s21, s22;
	s22 =	smov.u32 s9;
	s20 =	sshrl.u32 s20, $0xC  }
0x15: {  	v60 =	vld [tilespmem:s17+$0x0];
	[tilespmem:s18+$0x0 ss:$0x81] =	vst.msk $0xffff, v1;
	s22 =	simm.s32 @!p1 $0xC7;
	p1 =	sgt.s32 s10, $0xF80;
	s29 =	smulhi.u32 $0x147AE15, s20  }
0x16: {  	v61 =	vld [tilespmem:s17+$0x10];
	[tilespmem:s19+$0x3870 ss:$0x81] =	vst.msk $0xffff, v0;
	s21 =	sor.u32 s28, s21;
	s18 =	ssub.s32 s22, s31;
	s24 =	simm.s32 @!p1 $0xF80  }
0x17: {  	v62 =	vld [tilespmem:s17+$0x20];
	[tilespmem:s19+$0x810 ss:$0x81] =	vst.msk $0xffff, v5;
	s22 =	ssub.s32 s24, s25;
	s26 =	ssub.s32 $0xC8, s18;
	s23 =	smul.u32 $0xC8, s29  }
0x18: {  	v63 =	vld [tilespmem:s17+$0xFFFFFFC0];
	[tilespmem:s19+$0x1020 ss:$0x81] =	vst.msk $0xffff, v58;
	s27 =	sadd.s32 $0xFFFFFF39, s18;
	s18 =	smul.u32 $0x64, s26;
	s28 =	sadd.s32 $0xFFFFF080, s22  }
0x19: {  	[tilespmem:s19+$0x1830 ss:$0x81] =	vst.msk $0xffff, v59;
	p1 =	sgt.s32 s27, $0x0;
	s17 =	ssub.s32 $0x1000, s22;
	p2 =	sgt.s32 s28, $0x7F  }
0x1a: {  	s30 =	sand.u32 $0x7, s10;
	[tilespmem:s19+$0x2040 ss:$0x81] =	vst.msk $0xffff, v60;
	s18 =	simm.s32 @p1 $0x0;
	s17 =	simm.s32 @p2 $0x0  }
0x1b: {  	[tilespmem:s19+$0x2850 ss:$0x81] =	vst.msk $0xffff, v61;
	s29 =	sshrl.u32 s21, $0x3;
	s20 =	ssub.s32 s20, s23;
	s17 =	smul.u32 s17, s18  }
0x1c: {  	[tilespmem:s19+$0x3060 ss:$0x81] =	vst.msk $0xffff, v62;
	s21 =	sshll.u32 s30, $0x12;
	s20 =	sshll.u32 s20, $0x9;
	s18 =	sadd.s32 s3, s29  }
0x1d: {  	[tilespmem:s19+$0x0 ss:$0x81] =	vst.msk $0xffff, v63;
	s31 =	sor.u32 $0x80, s21;
	s18 =	sadd.s32 s20, s18;
	s17 =	sand.u32 $0x3FFFFFFC, s17  }
0x1e: {  	[hbm4b:s18+s31] =	stream.strided.scatter [tilespmem:s16], [sflag:$0x2], s17, s8, s31, $0x20;
	[tilespmem:$0x10100] =	vst v63  }
.LBB1_5:
0x1f: {  	p1 =	slt.u32 s13, $0x2  }
0x20: {  	s17 =	smov.u32 s15;
	p2 =	sgt.s32 @!p1 s15, $0xC7;
	s16 =	sshra.s32 @!p1 s15, $0x1F  }
0x21: {  	p3 =	sgt.s32 @!p1 s14, $0xF80;
	s18 =	sshra.s32 @!p1 s14, $0x1F;
	p2 =	por !p2, p1  }
0x22: {  	s15 =	sand.u32 @!p1 s16, s15;
	p3 =	por !p3, p1;
	s16 =	smov.u32 s14  }
0x23: {  	s14 =	sand.u32 @!p1 s18, s14;
	s17 =	simm.s32 @p2 $0xC7;
	s16 =	simm.s32 @p3 $0xF80  }
0x24: {  	s18 =	smov.u32 s12;
	s15 =	ssub.s32 @!p1 s17, s15;
	s14 =	ssub.s32 @!p1 s16, s14  }
0x25: {  	s16 =	sadd.s32 @!p1 $0xFFFFFF39, s15;
	s15 =	ssub.s32 @!p1 $0xC8, s15;
	s17 =	sadd.s32 @!p1 $0xFFFFF080, s14  }
0x26: {  	p2 =	sgt.s32 @!p1 s16, $0x0;
	s15 =	smul.u32 @!p1 $0x64, s15;
	p3 =	sgt.s32 @!p1 s17, $0x7F  }
0x27: {  	s14 =	ssub.s32 @!p1 $0x1000, s14;
	p2 =	por !p2, p1;
	p3 =	por !p3, p1  }
0x28: {  	s16 =	sadd.s32 $0x1, s11;
	s15 =	simm.s32 @!p2 $0x0;
	s14 =	simm.s32 @!p3 $0x0  }
0x29: {  	p2 =	sgt.s32 s16, $0xC7;
	s14 =	smul.u32 @!p1 s14, s15;
	s15 =	sadd.s32 $0x1000, s12  }
0x2a: {  	s18 =	smov.u32 @p2 s15  }
0x2b: {  	s16 =	simm.s32 @p2 $0x0;
	p2 =	sgt.s32 s18, $0xFFF  }
0x2c: {  	s18 =	smov.u32 @p2 s2;
	p2 =	sne.s32 s13, s7  }
.Ltmp1:
0x2d: {  	p0 =	por !p0, !p0;
	s17 =	simm.s32 @!p1 $0x2;
	(pc) =	sbr.rel @!p2 .LBB1_6-.Ltmp1, $4  }
0x2e: {  	s15 =	smov.u32 s9;
	s9 =	smov.u32 s11;
	s14 =	sand.u32 @!p1 $0x3FFFFFFC, s14  }
0x2f: {  	s11 =	smov.u32 s16;
	_ =	swait.ge @!p1 [sflag:s17], s14;
	s19 =	ssub.s32 @!p1 $0x0, s14  }
0x30: {  	s14 =	smov.u32 s10;
	s13 =	sadd.s32 $0x1, s13;
	[sflag:s17] =	ssyncset.done @!p1 $0x0  }
0x31: {  	s10 =	smov.u32 s12;
	s12 =	smov.u32 s18;
	[sflag:s17] =	ssyncadd.s32 @!p1 s19  }
.LBB1_1:
0x32: {  	p1 =	sge.u32 s13, s5  }
0x33: {  	s16 =	sand.u32 @!p1 $0x1FFFFFF, s11  }
0x34: {  	s17 =	smulhi.u32 @!p1 $0x147AE15, s16;
	_ =	sdelay $0x1  }
0x35: {  	s17 =	smul.u32 @!p1 $0xC8, s17  }
0x36: {  	s18 =	sxor.u32 @!p1 $0xFFFFFFFF, s13;
	s19 =	smul.u32 @!p1 $0xC80, s12  }
0x37: {  	s31 =	sadd.s32 $0xFFFFFFFF, s13;
	s18 =	sshll.u32 @!p1 s18, $0xE;
	s16 =	ssub.s32 @!p1 s16, s17  }
0x38: {  	s17 =	sand.u32 @!p1 $0x4000, s18;
	s18 =	sadd.s32 @!p1 s6, s19;
	s16 =	sshll.u32 @!p1 s16, $0x4  }
0x39: {  	s19 =	simm.s32 @!p1 $0x6400;
	s16 =	sadd.s32 @!p1 s16, s18;
	s18 =	simm.s32 @!p1 $0x80  }
0x3a: {  	[tilespmem:s17], [sflag:$0x1] =	stream.strided.gather @!p1 [hbm4b:s16+s18], $0x4000, s19, s18, $0x38;
	[tilespmem:$0x10100] =	vst v63  }
0x3b: {  	p1 =	sge.u32 s31, s5  }
.Ltmp2:
0x3c: {  	_ = 	snop;
	(pc) =	sbr.rel @p1 .LBB1_5-.Ltmp2, $1  }
0x3d: {  	_ =	sdelay $0x3  }
0x3e: {  	s16 =	simm.s32 $0x1  }
0x3f: {  	_ =	swait.ge [sflag:s4], $0x4000;
	s16 =	simm.s32 @!p0 $0x0  }
0x40: {  	[sflag:s4] =	ssyncset.done $0x0;
	s17 =	sshll.u32 s16, $0xE  }
0x41: {  	[sflag:s4] =	ssyncadd.s32 $0xFFFFC000;
	s17 =	sor.u32 $0x40, s17  }
0x42: {  	s16 =	smul.u32 $0x10200, s16;
	v0 =	vld [tilespmem:s17+$0x30]  }
0x43: {  	v1 =	vld [tilespmem:s17+$0xFFFFFFD0]  }
0x44: {  	s16 =	sshrl.u32 s16, $0x2;
	v5 =	vld [tilespmem:s17+$0xFFFFFFE0]  }
0x45: {  	v6 =	vld [tilespmem:s17+$0xFFFFFFF0];
	s19 =	sor.u32 $0x8000, s16  }
0x46: {  	s31 =	sand.u32 $0x1, s13;
	v4 =	vld [tilespmem:s17+$0x0];
	s18 =	sadd.s32 $0x0, s19  }
0x47: {  	v3 =	vld [tilespmem:s17+$0x10];
	s16 =	smul.u32 $0x10200, s31;
	[tilespmem:s18+$0x3870 ss:$0x81] =	vst.msk $0xffff, v0  }
0x48: {  	v2 =	vld [tilespmem:s17+$0x20];
	[tilespmem:s18+$0x810 ss:$0x81] =	vst.msk $0xffff, v1  }
0x49: {  	s16 =	sshrl.u32 s16, $0x2;
	v1 =	vld [tilespmem:s17+$0xFFFFFFC0];
	[tilespmem:s18+$0x1020 ss:$0x81] =	vst.msk $0xffff, v5;
	s17 =	sadd.s32 $0x80, s17  }
0x4a: {  	s20 =	simm.s32 $0x4;
	s21 =	simm.s32 $0x8;
	s16 =	sor.u32 $0x8000, s16;
	[tilespmem:s18+$0x1830 ss:$0x81] =	vst.msk $0xffff, v6;
	v0 =	vld [tilespmem:s17+$0x30]  }
.LBB1_3:
0x4b: {  	p1 =	sne.s32 s21, $0x1FC;
	v5 =	vld [tilespmem:s17+$0xFFFFFFD0];
	[tilespmem:s18+$0x2040 ss:$0x81] =	vst.msk $0xffff, v4  }
0x4c: {  	v6 =	vld [tilespmem:s17+$0xFFFFFFE0];
	[tilespmem:s18+$0x2850 ss:$0x81] =	vst.msk $0xffff, v3  }
0x4d: {  	s22 =	sshra.s32 s20, $0x2;
	s20 =	smov.u32 s21;
	v7 =	vld [tilespmem:s17+$0xFFFFFFF0];
	[tilespmem:s18+$0x3060 ss:$0x81] =	vst.msk $0xffff, v2  }
.Ltmp3:
0x4e: {  	v4 =	vld [tilespmem:s17+$0x0];
	[tilespmem:s18+$0x0 ss:$0x81] =	vst.msk $0xffff, v1;
	s18 =	sadd.s32 s22, s19;
	(pc) =	sbr.rel @p1 .LBB1_3-.Ltmp3, $4  }
0x4f: {  	v3 =	vld [tilespmem:s17+$0x10];
	[tilespmem:s18+$0x3870 ss:$0x81] =	vst.msk $0xffff, v0  }
0x50: {  	[tilespmem:s18+$0x810 ss:$0x81] =	vst.msk $0xffff, v5;
	v2 =	vld [tilespmem:s17+$0x20]  }
0x51: {  	v1 =	vld [tilespmem:s17+$0xFFFFFFC0];
	[tilespmem:s18+$0x1020 ss:$0x81] =	vst.msk $0xffff, v6;
	s17 =	sadd.s32 $0x80, s17  }
0x52: {  	s21 =	sadd.s32 $0x4, s21;
	v0 =	vld [tilespmem:s17+$0x30];
	[tilespmem:s18+$0x1830 ss:$0x81] =	vst.msk $0xffff, v7  }
.Ltmp4:
0x53: {  	_ = 	snop;
	(pc) =	sbr.rel .LBB1_4-.Ltmp4, $1  }
0x54: {  	_ =	sdelay $0x3  }
.LBB1_6:
0x55: {  	_ =	sfence.sel $0x180000  }
0x56: {  	s2 =	simm.s32 $0x1;
	[bflag:$0x0] =	sbarrier.arrive $0xFFFF  }
0x57: {  	s31 =	simm.s32 $0x2;
	[sflag:s2] =	ssyncpa.u1 $0x1  }
0x58: {  	[sflag:s31] =	ssyncpa.u1 $0x1  }
0x59: {  	p0 =	sne.s32 s0, $0x0;
	_ =	strace $0x9000004A  }
0x5a: {  	s0 =	sadd.s32 @!p0 $0x100000, s1;
	[bflag:$0x2] =	sbarrier.arrive $0xFFFF  }
0x5b: {  	[sflag:s0] =	ssyncadd.tile.s32 @!p0 $0x1;
	_ =	shalt  }
.Lfunc_end1:
_tile_overlayer_lowered:
.L_overlay_start_2:
0x5c: {  	(tag) =	ssettag $0x2  }
0x5d: {  	s0 =	rddreg [dreg:$0x0];
	s2 =	stileid.u32  }
0x5e: {  	s1 =	rddreg [dreg:$0x1];
	p0 =	sne.s32 s2, $0x0  }
0x5f: {  	s3 =	rddreg [dreg:$0x2];
	[bflag:$0x3] =	sbarrier.arrive $0xFFFF;
	s2 =	simm.s32 @!p0 $0x1C01  }
0x60: {  	[timem:s3], [sflag:s2] =	dma.local @!p0 [hbm:s0], s1  }
0x61: {  	s0 =	simm.s32 @!p0 $0x1  }
0x62: {  	_ =	swait.ge @!p0 [sflag:s0], s1  }
0x63: {  	s1 =	ssub.s32 @!p0 $0x0, s1;
	[sflag:s0] =	ssyncset.done @!p0 $0x0  }
0x64: {  	[sflag:s0] =	ssyncadd.s32 @!p0 s1  }
0x65: {  	[bflag:$0x3] =	sbarrier.arrive $0xFFFF  }
0x66: {  	_ =	shalt  }

</sc_bundles>
